<compile_context>
chip_gen: v7x
topology: tpu7x:2x2x1
jax: 0.10.2.dev20260603
libtpu: 0.0.44.dev20260713+nightly
codegen_flags: <defaults>
</compile_context>

<pallas_src>
import functools

import jax
import jax.numpy as jnp
from jax import lax
from jax.experimental import pallas as pl
from jax.experimental.pallas import tpu as pltpu
from jax.experimental.pallas import tpu_sc as plsc


@functools.cache
def _build(B, V, D):
    info = plsc.get_sparse_core_info()
    nc, ns = info.num_cores, info.num_subcores
    nw = nc * ns
    b_per_w = B // nw
    n_groups = b_per_w // 16
    mesh = plsc.VectorSubcoreMesh(core_axis_name="c", subcore_axis_name="s")

    @functools.partial(
        pl.kernel,
        mesh=mesh,
        out_type=jax.ShapeDtypeStruct((B, D), jnp.float32),
        compiler_params=pltpu.CompilerParams(needs_layout_passes=False),
        scratch_types=[
            pltpu.VMEM((n_groups, 16), jnp.int32),
            pltpu.VMEM((b_per_w, D), jnp.float32),
            pltpu.SemaphoreType.DMA,
        ],
    )
    def emb(table_hbm, idx_hbm, out_hbm, idx_v, rows_v, sem):
        wid = lax.axis_index("s") * nc + lax.axis_index("c")
        pltpu.sync_copy(idx_hbm.at[wid], idx_v)
        lanes = lax.iota(jnp.int32, 16)

        @plsc.parallel_loop(0, n_groups, 1, unroll=2)
        def body(g):
            vec = idx_v[g, :]
            for l in range(16):
                r = jnp.sum(jnp.where(lanes == l, vec, 0))
                pltpu.async_copy(
                    table_hbm.at[r], rows_v.at[g * 16 + l], sem
                )

        pltpu.make_async_copy(
            table_hbm.at[pl.ds(0, b_per_w)], rows_v, sem
        ).wait()
        pltpu.sync_copy(
            rows_v.reshape(b_per_w // 8, 8, D),
            out_hbm.reshape(B // 8, 8, D).at[
                pl.ds(wid * (b_per_w // 8), b_per_w // 8)
            ],
        )

    return emb, nw, n_groups


def kernel(label, table):
    (B,) = label.shape
    V, D = table.shape
    emb, nw, n_groups = _build(B, V, D)
    idx = label.astype(jnp.int32).reshape(nw, n_groups, 16)
    return emb(table, idx)

# --- scband reference (transcript-rebuilt; emitter-appended) ---
"""Pipeline reference for scband-label-embedder-52097953301124 (READ-ONLY COPY).

The authoritative reference and input builder live on the scoring server;
editing this copy changes nothing except your own understanding.
"""

import jax, jax.numpy as jnp
import numpy as np

N_CLASSES = 1000000
D_EMBED = 64
BATCH = 16384


def setup_inputs(seed: int = 0) -> dict:
    key = jax.random.key(seed)
    k_idx, k_tab = jax.random.split(key)
    label = jax.random.randint(k_idx, (BATCH,), 0, N_CLASSES, dtype=jnp.int64 if jax.config.jax_enable_x64 else jnp.int32)
    table = jax.random.normal(k_tab, (N_CLASSES, D_EMBED), dtype=jnp.float32)
    return {"label": label, "table": table}


def reference(label, table):
    # nn.Embedding forward == row gather from the embedding table
    return jnp.take(table, label, axis=0)

if __name__ == "__main__":
    import jax
    _d = setup_inputs()
    print(jax.jit(kernel)(*tuple(_d.values())))

</pallas_src>

<mosaic_0001>
#map = affine_map<(d0, d1) -> (0, 0)>
#map1 = affine_map<(d0, d1) -> (0, 0, 0)>
module attributes {stable_mosaic.version = 14 : i64} {
  func.func @emb(%arg0: i32, %arg1: i32, %arg2: memref<1000000x64xf32, #tpu.memory_space<hbm>>, %arg3: memref<32x32x16xi32, #tpu.memory_space<hbm>>, %arg4: memref<16384x64xf32, #tpu.memory_space<hbm>>, %arg5: memref<32x16xi32, #tpu.memory_space<vmem>>, %arg6: memref<512x64xf32, #tpu.memory_space<vmem>>, %arg7: memref<!tpu.dma_semaphore, #tpu.memory_space<semaphore_mem>>) attributes {dimension_semantics = [#tpu.dimension_semantics<core_parallel>, #tpu.dimension_semantics<subcore_parallel>], iteration_bounds = array<i64: 2, 16>, scalar_prefetch = 0 : i64, scratch_operands = 3 : i64, tpu.core_type = #tpu.core_type<sc_vector_subcore>, window_params = [{transform_indices = #map}, {transform_indices = #map1}, {transform_indices = #map}]} {
    %mul3A = arith.constant 2 : i32
    %mul3A_0 = arith.muli %arg1, %mul3A : i32
    %add3A = arith.addi %mul3A_0, %arg0 : i32
    "tpu.region"() ({
      %run_scoped3A = tpu.sem_alloc : memref<!tpu.dma_semaphore, #tpu.memory_space<semaphore_mem>>
      %dma_start3A = arith.constant 0 : i32
      %dma_start3A_10 = arith.constant 0 : i32
      %dma_start3A_11 = tpu.memref_slice %arg3[%add3A, %dma_start3A, %dma_start3A_10] : memref<32x32x16xi32, #tpu.memory_space<hbm>> -> memref<1x32x16xi32, #tpu.memory_space<hbm>>
      %dma_start3A_12 = tpu.memref_squeeze %dma_start3A_11 : memref<1x32x16xi32, #tpu.memory_space<hbm>> -> memref<32x16xi32, #tpu.memory_space<hbm>>
      %dma_start3A_13 = arith.constant 0 : i32
      %dma_start3A_14 = arith.constant 0 : i32
      %dma_start3A_15 = tpu.memref_slice %arg3[%add3A, %dma_start3A_13, %dma_start3A_14] : memref<32x32x16xi32, #tpu.memory_space<hbm>> -> memref<1x32x16xi32, #tpu.memory_space<hbm>>
      %dma_start3A_16 = tpu.memref_squeeze %dma_start3A_15 : memref<1x32x16xi32, #tpu.memory_space<hbm>> -> memref<32x16xi32, #tpu.memory_space<hbm>>
      tpu.enqueue_dma source(%dma_start3A_16 : memref<32x16xi32, #tpu.memory_space<hbm>>) target(%arg5 : memref<32x16xi32, #tpu.memory_space<vmem>>) target_semaphore(%run_scoped3A : memref<!tpu.dma_semaphore, #tpu.memory_space<semaphore_mem>>)
      %dma_wait3A_17 = arith.constant 0 : i32
      %dma_wait3A_18 = arith.constant 0 : i32
      %dma_wait3A_19 = tpu.memref_slice %arg3[%add3A, %dma_wait3A_17, %dma_wait3A_18] : memref<32x32x16xi32, #tpu.memory_space<hbm>> -> memref<1x32x16xi32, #tpu.memory_space<hbm>>
      %dma_wait3A_20 = tpu.memref_squeeze %dma_wait3A_19 : memref<1x32x16xi32, #tpu.memory_space<hbm>> -> memref<32x16xi32, #tpu.memory_space<hbm>>
      %dma_wait3A_21 = arith.constant 0 : i32
      %dma_wait3A_22 = arith.constant 0 : i32
      %dma_wait3A_23 = tpu.memref_slice %arg3[%add3A, %dma_wait3A_21, %dma_wait3A_22] : memref<32x32x16xi32, #tpu.memory_space<hbm>> -> memref<1x32x16xi32, #tpu.memory_space<hbm>>
      %dma_wait3A_24 = tpu.memref_squeeze %dma_wait3A_23 : memref<1x32x16xi32, #tpu.memory_space<hbm>> -> memref<32x16xi32, #tpu.memory_space<hbm>>
      tpu.wait_dma2 semaphore(%run_scoped3A : memref<!tpu.dma_semaphore, #tpu.memory_space<semaphore_mem>>) src(%dma_wait3A_24 : memref<32x16xi32, #tpu.memory_space<hbm>>) dst(%arg5 : memref<32x16xi32, #tpu.memory_space<vmem>>)
      tpu.yield
    }) : () -> ()
    %iota3A = tpu.iota {dimensions = array<i32: 0>} : vector<16xi32>
    %parallel_loop3A = arith.constant 0 : i32
    %parallel_loop3A_1 = arith.constant 32 : i32
    %parallel_loop3A_2 = arith.constant 1 : i32
    scf.for %parallel_loop3A_10 = %parallel_loop3A to %parallel_loop3A_1 step %parallel_loop3A_2  : i32 {
      %parallel_loop3A_11 = arith.index_cast %parallel_loop3A_10 : i32 to index
      %parallel_loop3A_12 = arith.constant 0 : index
      %parallel_loop3A_13 = tpu.vector_load %arg5[%parallel_loop3A_11, %parallel_loop3A_12] {strides = array<i32>} : memref<32x16xi32, #tpu.memory_space<vmem>>, vector<16xi32>,
      %parallel_loop3A_14 = arith.constant 0 : i32
      %parallel_loop3A_15 = vector.broadcast %parallel_loop3A_14 : i32 to vector<16xi32>
      %parallel_loop3A_16 = arith.cmpi eq, %iota3A, %parallel_loop3A_15 : vector<16xi32>
      %parallel_loop3A_17 = arith.constant 0 : i32
      %parallel_loop3A_18 = vector.broadcast %parallel_loop3A_17 : i32 to vector<16xi32>
      %parallel_loop3A_19 = arith.select %parallel_loop3A_16, %parallel_loop3A_13, %parallel_loop3A_18 : vector<16xi1>, vector<16xi32>
      %parallel_loop3A_20 = arith.constant true
      %parallel_loop3A_21 = vector.broadcast %parallel_loop3A_20 : i1 to vector<16xi1>
      %parallel_loop3A_22 = tpu.scan <sum>, %parallel_loop3A_19 masked %parallel_loop3A_21 : vector<16xi32>, vector<16xi1> -> vector<16xi32>
      %parallel_loop3A_23 = vector.extract %parallel_loop3A_22[15] : i32 from vector<16xi32>
      %parallel_loop3A_24 = arith.constant 16 : i32
      %parallel_loop3A_25 = arith.muli %parallel_loop3A_10, %parallel_loop3A_24 : i32
      %parallel_loop3A_26 = arith.constant 0 : i32
      %parallel_loop3A_27 = arith.addi %parallel_loop3A_25, %parallel_loop3A_26 : i32
      %parallel_loop3A_28 = arith.constant 0 : i32
      %parallel_loop3A_29 = tpu.memref_slice %arg6[%parallel_loop3A_27, %parallel_loop3A_28] : memref<512x64xf32, #tpu.memory_space<vmem>> -> memref<1x64xf32, #tpu.memory_space<vmem>>
      %parallel_loop3A_30 = tpu.memref_squeeze %parallel_loop3A_29 : memref<1x64xf32, #tpu.memory_space<vmem>> -> memref<64xf32, #tpu.memory_space<vmem>>
      %parallel_loop3A_31 = arith.constant 0 : i32
      %parallel_loop3A_32 = tpu.memref_slice %arg2[%parallel_loop3A_23, %parallel_loop3A_31] : memref<1000000x64xf32, #tpu.memory_space<hbm>> -> memref<1x64xf32, #tpu.memory_space<hbm>>
      %parallel_loop3A_33 = tpu.memref_squeeze %parallel_loop3A_32 : memref<1x64xf32, #tpu.memory_space<hbm>> -> memref<64xf32, #tpu.memory_space<hbm>>
      %parallel_loop3A_34 = arith.constant 0 : i32
      %parallel_loop3A_35 = tpu.memref_slice %arg6[%parallel_loop3A_27, %parallel_loop3A_34] : memref<512x64xf32, #tpu.memory_space<vmem>> -> memref<1x64xf32, #tpu.memory_space<vmem>>
      %parallel_loop3A_36 = tpu.memref_squeeze %parallel_loop3A_35 : memref<1x64xf32, #tpu.memory_space<vmem>> -> memref<64xf32, #tpu.memory_space<vmem>>
      %parallel_loop3A_37 = arith.constant 0 : i32
      %parallel_loop3A_38 = tpu.memref_slice %arg2[%parallel_loop3A_23, %parallel_loop3A_37] : memref<1000000x64xf32, #tpu.memory_space<hbm>> -> memref<1x64xf32, #tpu.memory_space<hbm>>
      %parallel_loop3A_39 = tpu.memref_squeeze %parallel_loop3A_38 : memref<1x64xf32, #tpu.memory_space<hbm>> -> memref<64xf32, #tpu.memory_space<hbm>>
      tpu.enqueue_dma source(%parallel_loop3A_39 : memref<64xf32, #tpu.memory_space<hbm>>) target(%parallel_loop3A_36 : memref<64xf32, #tpu.memory_space<vmem>>) target_semaphore(%arg7 : memref<!tpu.dma_semaphore, #tpu.memory_space<semaphore_mem>>)
      %parallel_loop3A_40 = arith.constant 1 : i32
      %parallel_loop3A_41 = vector.broadcast %parallel_loop3A_40 : i32 to vector<16xi32>
      %parallel_loop3A_42 = arith.cmpi eq, %iota3A, %parallel_loop3A_41 : vector<16xi32>
      %parallel_loop3A_43 = arith.constant 0 : i32
      %parallel_loop3A_44 = vector.broadcast %parallel_loop3A_43 : i32 to vector<16xi32>
      %parallel_loop3A_45 = arith.select %parallel_loop3A_42, %parallel_loop3A_13, %parallel_loop3A_44 : vector<16xi1>, vector<16xi32>
      %parallel_loop3A_46 = arith.constant true
      %parallel_loop3A_47 = vector.broadcast %parallel_loop3A_46 : i1 to vector<16xi1>
      %parallel_loop3A_48 = tpu.scan <sum>, %parallel_loop3A_45 masked %parallel_loop3A_47 : vector<16xi32>, vector<16xi1> -> vector<16xi32>
      %parallel_loop3A_49 = vector.extract %parallel_loop3A_48[15] : i32 from vector<16xi32>
      %parallel_loop3A_50 = arith.constant 16 : i32
      %parallel_loop3A_51 = arith.muli %parallel_loop3A_10, %parallel_loop3A_50 : i32
      %parallel_loop3A_52 = arith.constant 1 : i32
      %parallel_loop3A_53 = arith.addi %parallel_loop3A_51, %parallel_loop3A_52 : i32
      %parallel_loop3A_54 = arith.constant 0 : i32
      %parallel_loop3A_55 = tpu.memref_slice %arg6[%parallel_loop3A_53, %parallel_loop3A_54] : memref<512x64xf32, #tpu.memory_space<vmem>> -> memref<1x64xf32, #tpu.memory_space<vmem>>
      %parallel_loop3A_56 = tpu.memref_squeeze %parallel_loop3A_55 : memref<1x64xf32, #tpu.memory_space<vmem>> -> memref<64xf32, #tpu.memory_space<vmem>>
      %parallel_loop3A_57 = arith.constant 0 : i32
      %parallel_loop3A_58 = tpu.memref_slice %arg2[%parallel_loop3A_49, %parallel_loop3A_57] : memref<1000000x64xf32, #tpu.memory_space<hbm>> -> memref<1x64xf32, #tpu.memory_space<hbm>>
      %parallel_loop3A_59 = tpu.memref_squeeze %parallel_loop3A_58 : memref<1x64xf32, #tpu.memory_space<hbm>> -> memref<64xf32, #tpu.memory_space<hbm>>
      %parallel_loop3A_60 = arith.constant 0 : i32
      %parallel_loop3A_61 = tpu.memref_slice %arg6[%parallel_loop3A_53, %parallel_loop3A_60] : memref<512x64xf32, #tpu.memory_space<vmem>> -> memref<1x64xf32, #tpu.memory_space<vmem>>
      %parallel_loop3A_62 = tpu.memref_squeeze %parallel_loop3A_61 : memref<1x64xf32, #tpu.memory_space<vmem>> -> memref<64xf32, #tpu.memory_space<vmem>>
      %parallel_loop3A_63 = arith.constant 0 : i32
      %parallel_loop3A_64 = tpu.memref_slice %arg2[%parallel_loop3A_49, %parallel_loop3A_63] : memref<1000000x64xf32, #tpu.memory_space<hbm>> -> memref<1x64xf32, #tpu.memory_space<hbm>>
      %parallel_loop3A_65 = tpu.memref_squeeze %parallel_loop3A_64 : memref<1x64xf32, #tpu.memory_space<hbm>> -> memref<64xf32, #tpu.memory_space<hbm>>
      tpu.enqueue_dma source(%parallel_loop3A_65 : memref<64xf32, #tpu.memory_space<hbm>>) target(%parallel_loop3A_62 : memref<64xf32, #tpu.memory_space<vmem>>) target_semaphore(%arg7 : memref<!tpu.dma_semaphore, #tpu.memory_space<semaphore_mem>>)
      %parallel_loop3A_66 = arith.constant 2 : i32
      %parallel_loop3A_67 = vector.broadcast %parallel_loop3A_66 : i32 to vector<16xi32>
      %parallel_loop3A_68 = arith.cmpi eq, %iota3A, %parallel_loop3A_67 : vector<16xi32>
      %parallel_loop3A_69 = arith.constant 0 : i32
      %parallel_loop3A_70 = vector.broadcast %parallel_loop3A_69 : i32 to vector<16xi32>
      %parallel_loop3A_71 = arith.select %parallel_loop3A_68, %parallel_loop3A_13, %parallel_loop3A_70 : vector<16xi1>, vector<16xi32>
      %parallel_loop3A_72 = arith.constant true
      %parallel_loop3A_73 = vector.broadcast %parallel_loop3A_72 : i1 to vector<16xi1>
      %parallel_loop3A_74 = tpu.scan <sum>, %parallel_loop3A_71 masked %parallel_loop3A_73 : vector<16xi32>, vector<16xi1> -> vector<16xi32>
      %parallel_loop3A_75 = vector.extract %parallel_loop3A_74[15] : i32 from vector<16xi32>
      %parallel_loop3A_76 = arith.constant 16 : i32
      %parallel_loop3A_77 = arith.muli %parallel_loop3A_10, %parallel_loop3A_76 : i32
      %parallel_loop3A_78 = arith.constant 2 : i32
      %parallel_loop3A_79 = arith.addi %parallel_loop3A_77, %parallel_loop3A_78 : i32
      %parallel_loop3A_80 = arith.constant 0 : i32
      %parallel_loop3A_81 = tpu.memref_slice %arg6[%parallel_loop3A_79, %parallel_loop3A_80] : memref<512x64xf32, #tpu.memory_space<vmem>> -> memref<1x64xf32, #tpu.memory_space<vmem>>
      %parallel_loop3A_82 = tpu.memref_squeeze %parallel_loop3A_81 : memref<1x64xf32, #tpu.memory_space<vmem>> -> memref<64xf32, #tpu.memory_space<vmem>>
      %parallel_loop3A_83 = arith.constant 0 : i32
      %parallel_loop3A_84 = tpu.memref_slice %arg2[%parallel_loop3A_75, %parallel_loop3A_83] : memref<1000000x64xf32, #tpu.memory_space<hbm>> -> memref<1x64xf32, #tpu.memory_space<hbm>>
      %parallel_loop3A_85 = tpu.memref_squeeze %parallel_loop3A_84 : memref<1x64xf32, #tpu.memory_space<hbm>> -> memref<64xf32, #tpu.memory_space<hbm>>
      %parallel_loop3A_86 = arith.constant 0 : i32
      %parallel_loop3A_87 = tpu.memref_slice %arg6[%parallel_loop3A_79, %parallel_loop3A_86] : memref<512x64xf32, #tpu.memory_space<vmem>> -> memref<1x64xf32, #tpu.memory_space<vmem>>
      %parallel_loop3A_88 = tpu.memref_squeeze %parallel_loop3A_87 : memref<1x64xf32, #tpu.memory_space<vmem>> -> memref<64xf32, #tpu.memory_space<vmem>>
      %parallel_loop3A_89 = arith.constant 0 : i32
      %parallel_loop3A_90 = tpu.memref_slice %arg2[%parallel_loop3A_75, %parallel_loop3A_89] : memref<1000000x64xf32, #tpu.memory_space<hbm>> -> memref<1x64xf32, #tpu.memory_space<hbm>>
      %parallel_loop3A_91 = tpu.memref_squeeze %parallel_loop3A_90 : memref<1x64xf32, #tpu.memory_space<hbm>> -> memref<64xf32, #tpu.memory_space<hbm>>
      tpu.enqueue_dma source(%parallel_loop3A_91 : memref<64xf32, #tpu.memory_space<hbm>>) target(%parallel_loop3A_88 : memref<64xf32, #tpu.memory_space<vmem>>) target_semaphore(%arg7 : memref<!tpu.dma_semaphore, #tpu.memory_space<semaphore_mem>>)
      %parallel_loop3A_92 = arith.constant 3 : i32
      %parallel_loop3A_93 = vector.broadcast %parallel_loop3A_92 : i32 to vector<16xi32>
      %parallel_loop3A_94 = arith.cmpi eq, %iota3A, %parallel_loop3A_93 : vector<16xi32>
      %parallel_loop3A_95 = arith.constant 0 : i32
      %parallel_loop3A_96 = vector.broadcast %parallel_loop3A_95 : i32 to vector<16xi32>
      %parallel_loop3A_97 = arith.select %parallel_loop3A_94, %parallel_loop3A_13, %parallel_loop3A_96 : vector<16xi1>, vector<16xi32>
      %parallel_loop3A_98 = arith.constant true
      %parallel_loop3A_99 = vector.broadcast %parallel_loop3A_98 : i1 to vector<16xi1>
      %parallel_loop3A_100 = tpu.scan <sum>, %parallel_loop3A_97 masked %parallel_loop3A_99 : vector<16xi32>, vector<16xi1> -> vector<16xi32>
      %parallel_loop3A_101 = vector.extract %parallel_loop3A_100[15] : i32 from vector<16xi32>
      %parallel_loop3A_102 = arith.constant 16 : i32
      %parallel_loop3A_103 = arith.muli %parallel_loop3A_10, %parallel_loop3A_102 : i32
      %parallel_loop3A_104 = arith.constant 3 : i32
      %parallel_loop3A_105 = arith.addi %parallel_loop3A_103, %parallel_loop3A_104 : i32
      %parallel_loop3A_106 = arith.constant 0 : i32
      %parallel_loop3A_107 = tpu.memref_slice %arg6[%parallel_loop3A_105, %parallel_loop3A_106] : memref<512x64xf32, #tpu.memory_space<vmem>> -> memref<1x64xf32, #tpu.memory_space<vmem>>
      %parallel_loop3A_108 = tpu.memref_squeeze %parallel_loop3A_107 : memref<1x64xf32, #tpu.memory_space<vmem>> -> memref<64xf32, #tpu.memory_space<vmem>>
      %parallel_loop3A_109 = arith.constant 0 : i32
      %parallel_loop3A_110 = tpu.memref_slice %arg2[%parallel_loop3A_101, %parallel_loop3A_109] : memref<1000000x64xf32, #tpu.memory_space<hbm>> -> memref<1x64xf32, #tpu.memory_space<hbm>>
      %parallel_loop3A_111 = tpu.memref_squeeze %parallel_loop3A_110 : memref<1x64xf32, #tpu.memory_space<hbm>> -> memref<64xf32, #tpu.memory_space<hbm>>
      %parallel_loop3A_112 = arith.constant 0 : i32
      %parallel_loop3A_113 = tpu.memref_slice %arg6[%parallel_loop3A_105, %parallel_loop3A_112] : memref<512x64xf32, #tpu.memory_space<vmem>> -> memref<1x64xf32, #tpu.memory_space<vmem>>
      %parallel_loop3A_114 = tpu.memref_squeeze %parallel_loop3A_113 : memref<1x64xf32, #tpu.memory_space<vmem>> -> memref<64xf32, #tpu.memory_space<vmem>>
      %parallel_loop3A_115 = arith.constant 0 : i32
      %parallel_loop3A_116 = tpu.memref_slice %arg2[%parallel_loop3A_101, %parallel_loop3A_115] : memref<1000000x64xf32, #tpu.memory_space<hbm>> -> memref<1x64xf32, #tpu.memory_space<hbm>>
      %parallel_loop3A_117 = tpu.memref_squeeze %parallel_loop3A_116 : memref<1x64xf32, #tpu.memory_space<hbm>> -> memref<64xf32, #tpu.memory_space<hbm>>
      tpu.enqueue_dma source(%parallel_loop3A_117 : memref<64xf32, #tpu.memory_space<hbm>>) target(%parallel_loop3A_114 : memref<64xf32, #tpu.memory_space<vmem>>) target_semaphore(%arg7 : memref<!tpu.dma_semaphore, #tpu.memory_space<semaphore_mem>>)
      %parallel_loop3A_118 = arith.constant 4 : i32
      %parallel_loop3A_119 = vector.broadcast %parallel_loop3A_118 : i32 to vector<16xi32>
      %parallel_loop3A_120 = arith.cmpi eq, %iota3A, %parallel_loop3A_119 : vector<16xi32>
      %parallel_loop3A_121 = arith.constant 0 : i32
      %parallel_loop3A_122 = vector.broadcast %parallel_loop3A_121 : i32 to vector<16xi32>
      %parallel_loop3A_123 = arith.select %parallel_loop3A_120, %parallel_loop3A_13, %parallel_loop3A_122 : vector<16xi1>, vector<16xi32>
      %parallel_loop3A_124 = arith.constant true
      %parallel_loop3A_125 = vector.broadcast %parallel_loop3A_124 : i1 to vector<16xi1>
      %parallel_loop3A_126 = tpu.scan <sum>, %parallel_loop3A_123 masked %parallel_loop3A_125 : vector<16xi32>, vector<16xi1> -> vector<16xi32>
      %parallel_loop3A_127 = vector.extract %parallel_loop3A_126[15] : i32 from vector<16xi32>
      %parallel_loop3A_128 = arith.constant 16 : i32
      %parallel_loop3A_129 = arith.muli %parallel_loop3A_10, %parallel_loop3A_128 : i32
      %parallel_loop3A_130 = arith.constant 4 : i32
      %parallel_loop3A_131 = arith.addi %parallel_loop3A_129, %parallel_loop3A_130 : i32
      %parallel_loop3A_132 = arith.constant 0 : i32
      %parallel_loop3A_133 = tpu.memref_slice %arg6[%parallel_loop3A_131, %parallel_loop3A_132] : memref<512x64xf32, #tpu.memory_space<vmem>> -> memref<1x64xf32, #tpu.memory_space<vmem>>
      %parallel_loop3A_134 = tpu.memref_squeeze %parallel_loop3A_133 : memref<1x64xf32, #tpu.memory_space<vmem>> -> memref<64xf32, #tpu.memory_space<vmem>>
      %parallel_loop3A_135 = arith.constant 0 : i32
      %parallel_loop3A_136 = tpu.memref_slice %arg2[%parallel_loop3A_127, %parallel_loop3A_135] : memref<1000000x64xf32, #tpu.memory_space<hbm>> -> memref<1x64xf32, #tpu.memory_space<hbm>>
      %parallel_loop3A_137 = tpu.memref_squeeze %parallel_loop3A_136 : memref<1x64xf32, #tpu.memory_space<hbm>> -> memref<64xf32, #tpu.memory_space<hbm>>
      %parallel_loop3A_138 = arith.constant 0 : i32
      %parallel_loop3A_139 = tpu.memref_slice %arg6[%parallel_loop3A_131, %parallel_loop3A_138] : memref<512x64xf32, #tpu.memory_space<vmem>> -> memref<1x64xf32, #tpu.memory_space<vmem>>
      %parallel_loop3A_140 = tpu.memref_squeeze %parallel_loop3A_139 : memref<1x64xf32, #tpu.memory_space<vmem>> -> memref<64xf32, #tpu.memory_space<vmem>>
      %parallel_loop3A_141 = arith.constant 0 : i32
      %parallel_loop3A_142 = tpu.memref_slice %arg2[%parallel_loop3A_127, %parallel_loop3A_141] : memref<1000000x64xf32, #tpu.memory_space<hbm>> -> memref<1x64xf32, #tpu.memory_space<hbm>>
      %parallel_loop3A_143 = tpu.memref_squeeze %parallel_loop3A_142 : memref<1x64xf32, #tpu.memory_space<hbm>> -> memref<64xf32, #tpu.memory_space<hbm>>
      tpu.enqueue_dma source(%parallel_loop3A_143 : memref<64xf32, #tpu.memory_space<hbm>>) target(%parallel_loop3A_140 : memref<64xf32, #tpu.memory_space<vmem>>) target_semaphore(%arg7 : memref<!tpu.dma_semaphore, #tpu.memory_space<semaphore_mem>>)
      %parallel_loop3A_144 = arith.constant 5 : i32
      %parallel_loop3A_145 = vector.broadcast %parallel_loop3A_144 : i32 to vector<16xi32>
      %parallel_loop3A_146 = arith.cmpi eq, %iota3A, %parallel_loop3A_145 : vector<16xi32>
      %parallel_loop3A_147 = arith.constant 0 : i32
      %parallel_loop3A_148 = vector.broadcast %parallel_loop3A_147 : i32 to vector<16xi32>
      %parallel_loop3A_149 = arith.select %parallel_loop3A_146, %parallel_loop3A_13, %parallel_loop3A_148 : vector<16xi1>, vector<16xi32>
      %parallel_loop3A_150 = arith.constant true
      %parallel_loop3A_151 = vector.broadcast %parallel_loop3A_150 : i1 to vector<16xi1>
      %parallel_loop3A_152 = tpu.scan <sum>, %parallel_loop3A_149 masked %parallel_loop3A_151 : vector<16xi32>, vector<16xi1> -> vector<16xi32>
      %parallel_loop3A_153 = vector.extract %parallel_loop3A_152[15] : i32 from vector<16xi32>
      %parallel_loop3A_154 = arith.constant 16 : i32
      %parallel_loop3A_155 = arith.muli %parallel_loop3A_10, %parallel_loop3A_154 : i32
      %parallel_loop3A_156 = arith.constant 5 : i32
      %parallel_loop3A_157 = arith.addi %parallel_loop3A_155, %parallel_loop3A_156 : i32
      %parallel_loop3A_158 = arith.constant 0 : i32
      %parallel_loop3A_159 = tpu.memref_slice %arg6[%parallel_loop3A_157, %parallel_loop3A_158] : memref<512x64xf32, #tpu.memory_space<vmem>> -> memref<1x64xf32, #tpu.memory_space<vmem>>
      %parallel_loop3A_160 = tpu.memref_squeeze %parallel_loop3A_159 : memref<1x64xf32, #tpu.memory_space<vmem>> -> memref<64xf32, #tpu.memory_space<vmem>>
      %parallel_loop3A_161 = arith.constant 0 : i32
      %parallel_loop3A_162 = tpu.memref_slice %arg2[%parallel_loop3A_153, %parallel_loop3A_161] : memref<1000000x64xf32, #tpu.memory_space<hbm>> -> memref<1x64xf32, #tpu.memory_space<hbm>>
      %parallel_loop3A_163 = tpu.memref_squeeze %parallel_loop3A_162 : memref<1x64xf32, #tpu.memory_space<hbm>> -> memref<64xf32, #tpu.memory_space<hbm>>
      %parallel_loop3A_164 = arith.constant 0 : i32
      %parallel_loop3A_165 = tpu.memref_slice %arg6[%parallel_loop3A_157, %parallel_loop3A_164] : memref<512x64xf32, #tpu.memory_space<vmem>> -> memref<1x64xf32, #tpu.memory_space<vmem>>
      %parallel_loop3A_166 = tpu.memref_squeeze %parallel_loop3A_165 : memref<1x64xf32, #tpu.memory_space<vmem>> -> memref<64xf32, #tpu.memory_space<vmem>>
      %parallel_loop3A_167 = arith.constant 0 : i32
      %parallel_loop3A_168 = tpu.memref_slice %arg2[%parallel_loop3A_153, %parallel_loop3A_167] : memref<1000000x64xf32, #tpu.memory_space<hbm>> -> memref<1x64xf32, #tpu.memory_space<hbm>>
      %parallel_loop3A_169 = tpu.memref_squeeze %parallel_loop3A_168 : memref<1x64xf32, #tpu.memory_space<hbm>> -> memref<64xf32, #tpu.memory_space<hbm>>
      tpu.enqueue_dma source(%parallel_loop3A_169 : memref<64xf32, #tpu.memory_space<hbm>>) target(%parallel_loop3A_166 : memref<64xf32, #tpu.memory_space<vmem>>) target_semaphore(%arg7 : memref<!tpu.dma_semaphore, #tpu.memory_space<semaphore_mem>>)
      %parallel_loop3A_170 = arith.constant 6 : i32
      %parallel_loop3A_171 = vector.broadcast %parallel_loop3A_170 : i32 to vector<16xi32>
      %parallel_loop3A_172 = arith.cmpi eq, %iota3A, %parallel_loop3A_171 : vector<16xi32>
      %parallel_loop3A_173 = arith.constant 0 : i32
      %parallel_loop3A_174 = vector.broadcast %parallel_loop3A_173 : i32 to vector<16xi32>
      %parallel_loop3A_175 = arith.select %parallel_loop3A_172, %parallel_loop3A_13, %parallel_loop3A_174 : vector<16xi1>, vector<16xi32>
      %parallel_loop3A_176 = arith.constant true
      %parallel_loop3A_177 = vector.broadcast %parallel_loop3A_176 : i1 to vector<16xi1>
      %parallel_loop3A_178 = tpu.scan <sum>, %parallel_loop3A_175 masked %parallel_loop3A_177 : vector<16xi32>, vector<16xi1> -> vector<16xi32>
      %parallel_loop3A_179 = vector.extract %parallel_loop3A_178[15] : i32 from vector<16xi32>
      %parallel_loop3A_180 = arith.constant 16 : i32
      %parallel_loop3A_181 = arith.muli %parallel_loop3A_10, %parallel_loop3A_180 : i32
      %parallel_loop3A_182 = arith.constant 6 : i32
      %parallel_loop3A_183 = arith.addi %parallel_loop3A_181, %parallel_loop3A_182 : i32
      %parallel_loop3A_184 = arith.constant 0 : i32
      %parallel_loop3A_185 = tpu.memref_slice %arg6[%parallel_loop3A_183, %parallel_loop3A_184] : memref<512x64xf32, #tpu.memory_space<vmem>> -> memref<1x64xf32, #tpu.memory_space<vmem>>
      %parallel_loop3A_186 = tpu.memref_squeeze %parallel_loop3A_185 : memref<1x64xf32, #tpu.memory_space<vmem>> -> memref<64xf32, #tpu.memory_space<vmem>>
      %parallel_loop3A_187 = arith.constant 0 : i32
      %parallel_loop3A_188 = tpu.memref_slice %arg2[%parallel_loop3A_179, %parallel_loop3A_187] : memref<1000000x64xf32, #tpu.memory_space<hbm>> -> memref<1x64xf32, #tpu.memory_space<hbm>>
      %parallel_loop3A_189 = tpu.memref_squeeze %parallel_loop3A_188 : memref<1x64xf32, #tpu.memory_space<hbm>> -> memref<64xf32, #tpu.memory_space<hbm>>
      %parallel_loop3A_190 = arith.constant 0 : i32
      %parallel_loop3A_191 = tpu.memref_slice %arg6[%parallel_loop3A_183, %parallel_loop3A_190] : memref<512x64xf32, #tpu.memory_space<vmem>> -> memref<1x64xf32, #tpu.memory_space<vmem>>
      %parallel_loop3A_192 = tpu.memref_squeeze %parallel_loop3A_191 : memref<1x64xf32, #tpu.memory_space<vmem>> -> memref<64xf32, #tpu.memory_space<vmem>>
      %parallel_loop3A_193 = arith.constant 0 : i32
      %parallel_loop3A_194 = tpu.memref_slice %arg2[%parallel_loop3A_179, %parallel_loop3A_193] : memref<1000000x64xf32, #tpu.memory_space<hbm>> -> memref<1x64xf32, #tpu.memory_space<hbm>>
      %parallel_loop3A_195 = tpu.memref_squeeze %parallel_loop3A_194 : memref<1x64xf32, #tpu.memory_space<hbm>> -> memref<64xf32, #tpu.memory_space<hbm>>
      tpu.enqueue_dma source(%parallel_loop3A_195 : memref<64xf32, #tpu.memory_space<hbm>>) target(%parallel_loop3A_192 : memref<64xf32, #tpu.memory_space<vmem>>) target_semaphore(%arg7 : memref<!tpu.dma_semaphore, #tpu.memory_space<semaphore_mem>>)
      %parallel_loop3A_196 = arith.constant 7 : i32
      %parallel_loop3A_197 = vector.broadcast %parallel_loop3A_196 : i32 to vector<16xi32>
      %parallel_loop3A_198 = arith.cmpi eq, %iota3A, %parallel_loop3A_197 : vector<16xi32>
      %parallel_loop3A_199 = arith.constant 0 : i32
      %parallel_loop3A_200 = vector.broadcast %parallel_loop3A_199 : i32 to vector<16xi32>
      %parallel_loop3A_201 = arith.select %parallel_loop3A_198, %parallel_loop3A_13, %parallel_loop3A_200 : vector<16xi1>, vector<16xi32>
      %parallel_loop3A_202 = arith.constant true
      %parallel_loop3A_203 = vector.broadcast %parallel_loop3A_202 : i1 to vector<16xi1>
      %parallel_loop3A_204 = tpu.scan <sum>, %parallel_loop3A_201 masked %parallel_loop3A_203 : vector<16xi32>, vector<16xi1> -> vector<16xi32>
      %parallel_loop3A_205 = vector.extract %parallel_loop3A_204[15] : i32 from vector<16xi32>
      %parallel_loop3A_206 = arith.constant 16 : i32
      %parallel_loop3A_207 = arith.muli %parallel_loop3A_10, %parallel_loop3A_206 : i32
      %parallel_loop3A_208 = arith.constant 7 : i32
      %parallel_loop3A_209 = arith.addi %parallel_loop3A_207, %parallel_loop3A_208 : i32
      %parallel_loop3A_210 = arith.constant 0 : i32
      %parallel_loop3A_211 = tpu.memref_slice %arg6[%parallel_loop3A_209, %parallel_loop3A_210] : memref<512x64xf32, #tpu.memory_space<vmem>> -> memref<1x64xf32, #tpu.memory_space<vmem>>
      %parallel_loop3A_212 = tpu.memref_squeeze %parallel_loop3A_211 : memref<1x64xf32, #tpu.memory_space<vmem>> -> memref<64xf32, #tpu.memory_space<vmem>>
      %parallel_loop3A_213 = arith.constant 0 : i32
      %parallel_loop3A_214 = tpu.memref_slice %arg2[%parallel_loop3A_205, %parallel_loop3A_213] : memref<1000000x64xf32, #tpu.memory_space<hbm>> -> memref<1x64xf32, #tpu.memory_space<hbm>>
      %parallel_loop3A_215 = tpu.memref_squeeze %parallel_loop3A_214 : memref<1x64xf32, #tpu.memory_space<hbm>> -> memref<64xf32, #tpu.memory_space<hbm>>
      %parallel_loop3A_216 = arith.constant 0 : i32
      %parallel_loop3A_217 = tpu.memref_slice %arg6[%parallel_loop3A_209, %parallel_loop3A_216] : memref<512x64xf32, #tpu.memory_space<vmem>> -> memref<1x64xf32, #tpu.memory_space<vmem>>
      %parallel_loop3A_218 = tpu.memref_squeeze %parallel_loop3A_217 : memref<1x64xf32, #tpu.memory_space<vmem>> -> memref<64xf32, #tpu.memory_space<vmem>>
      %parallel_loop3A_219 = arith.constant 0 : i32
      %parallel_loop3A_220 = tpu.memref_slice %arg2[%parallel_loop3A_205, %parallel_loop3A_219] : memref<1000000x64xf32, #tpu.memory_space<hbm>> -> memref<1x64xf32, #tpu.memory_space<hbm>>
      %parallel_loop3A_221 = tpu.memref_squeeze %parallel_loop3A_220 : memref<1x64xf32, #tpu.memory_space<hbm>> -> memref<64xf32, #tpu.memory_space<hbm>>
      tpu.enqueue_dma source(%parallel_loop3A_221 : memref<64xf32, #tpu.memory_space<hbm>>) target(%parallel_loop3A_218 : memref<64xf32, #tpu.memory_space<vmem>>) target_semaphore(%arg7 : memref<!tpu.dma_semaphore, #tpu.memory_space<semaphore_mem>>)
      %parallel_loop3A_222 = arith.constant 8 : i32
      %parallel_loop3A_223 = vector.broadcast %parallel_loop3A_222 : i32 to vector<16xi32>
      %parallel_loop3A_224 = arith.cmpi eq, %iota3A, %parallel_loop3A_223 : vector<16xi32>
      %parallel_loop3A_225 = arith.constant 0 : i32
      %parallel_loop3A_226 = vector.broadcast %parallel_loop3A_225 : i32 to vector<16xi32>
      %parallel_loop3A_227 = arith.select %parallel_loop3A_224, %parallel_loop3A_13, %parallel_loop3A_226 : vector<16xi1>, vector<16xi32>
      %parallel_loop3A_228 = arith.constant true
      %parallel_loop3A_229 = vector.broadcast %parallel_loop3A_228 : i1 to vector<16xi1>
      %parallel_loop3A_230 = tpu.scan <sum>, %parallel_loop3A_227 masked %parallel_loop3A_229 : vector<16xi32>, vector<16xi1> -> vector<16xi32>
      %parallel_loop3A_231 = vector.extract %parallel_loop3A_230[15] : i32 from vector<16xi32>
      %parallel_loop3A_232 = arith.constant 16 : i32
      %parallel_loop3A_233 = arith.muli %parallel_loop3A_10, %parallel_loop3A_232 : i32
      %parallel_loop3A_234 = arith.constant 8 : i32
      %parallel_loop3A_235 = arith.addi %parallel_loop3A_233, %parallel_loop3A_234 : i32
      %parallel_loop3A_236 = arith.constant 0 : i32
      %parallel_loop3A_237 = tpu.memref_slice %arg6[%parallel_loop3A_235, %parallel_loop3A_236] : memref<512x64xf32, #tpu.memory_space<vmem>> -> memref<1x64xf32, #tpu.memory_space<vmem>>
      %parallel_loop3A_238 = tpu.memref_squeeze %parallel_loop3A_237 : memref<1x64xf32, #tpu.memory_space<vmem>> -> memref<64xf32, #tpu.memory_space<vmem>>
      %parallel_loop3A_239 = arith.constant 0 : i32
      %parallel_loop3A_240 = tpu.memref_slice %arg2[%parallel_loop3A_231, %parallel_loop3A_239] : memref<1000000x64xf32, #tpu.memory_space<hbm>> -> memref<1x64xf32, #tpu.memory_space<hbm>>
      %parallel_loop3A_241 = tpu.memref_squeeze %parallel_loop3A_240 : memref<1x64xf32, #tpu.memory_space<hbm>> -> memref<64xf32, #tpu.memory_space<hbm>>
      %parallel_loop3A_242 = arith.constant 0 : i32
      %parallel_loop3A_243 = tpu.memref_slice %arg6[%parallel_loop3A_235, %parallel_loop3A_242] : memref<512x64xf32, #tpu.memory_space<vmem>> -> memref<1x64xf32, #tpu.memory_space<vmem>>
      %parallel_loop3A_244 = tpu.memref_squeeze %parallel_loop3A_243 : memref<1x64xf32, #tpu.memory_space<vmem>> -> memref<64xf32, #tpu.memory_space<vmem>>
      %parallel_loop3A_245 = arith.constant 0 : i32
      %parallel_loop3A_246 = tpu.memref_slice %arg2[%parallel_loop3A_231, %parallel_loop3A_245] : memref<1000000x64xf32, #tpu.memory_space<hbm>> -> memref<1x64xf32, #tpu.memory_space<hbm>>
      %parallel_loop3A_247 = tpu.memref_squeeze %parallel_loop3A_246 : memref<1x64xf32, #tpu.memory_space<hbm>> -> memref<64xf32, #tpu.memory_space<hbm>>
      tpu.enqueue_dma source(%parallel_loop3A_247 : memref<64xf32, #tpu.memory_space<hbm>>) target(%parallel_loop3A_244 : memref<64xf32, #tpu.memory_space<vmem>>) target_semaphore(%arg7 : memref<!tpu.dma_semaphore, #tpu.memory_space<semaphore_mem>>)
      %parallel_loop3A_248 = arith.constant 9 : i32
      %parallel_loop3A_249 = vector.broadcast %parallel_loop3A_248 : i32 to vector<16xi32>
      %parallel_loop3A_250 = arith.cmpi eq, %iota3A, %parallel_loop3A_249 : vector<16xi32>
      %parallel_loop3A_251 = arith.constant 0 : i32
      %parallel_loop3A_252 = vector.broadcast %parallel_loop3A_251 : i32 to vector<16xi32>
      %parallel_loop3A_253 = arith.select %parallel_loop3A_250, %parallel_loop3A_13, %parallel_loop3A_252 : vector<16xi1>, vector<16xi32>
      %parallel_loop3A_254 = arith.constant true
      %parallel_loop3A_255 = vector.broadcast %parallel_loop3A_254 : i1 to vector<16xi1>
      %parallel_loop3A_256 = tpu.scan <sum>, %parallel_loop3A_253 masked %parallel_loop3A_255 : vector<16xi32>, vector<16xi1> -> vector<16xi32>
      %parallel_loop3A_257 = vector.extract %parallel_loop3A_256[15] : i32 from vector<16xi32>
      %parallel_loop3A_258 = arith.constant 16 : i32
      %parallel_loop3A_259 = arith.muli %parallel_loop3A_10, %parallel_loop3A_258 : i32
      %parallel_loop3A_260 = arith.constant 9 : i32
      %parallel_loop3A_261 = arith.addi %parallel_loop3A_259, %parallel_loop3A_260 : i32
      %parallel_loop3A_262 = arith.constant 0 : i32
      %parallel_loop3A_263 = tpu.memref_slice %arg6[%parallel_loop3A_261, %parallel_loop3A_262] : memref<512x64xf32, #tpu.memory_space<vmem>> -> memref<1x64xf32, #tpu.memory_space<vmem>>
      %parallel_loop3A_264 = tpu.memref_squeeze %parallel_loop3A_263 : memref<1x64xf32, #tpu.memory_space<vmem>> -> memref<64xf32, #tpu.memory_space<vmem>>
      %parallel_loop3A_265 = arith.constant 0 : i32
      %parallel_loop3A_266 = tpu.memref_slice %arg2[%parallel_loop3A_257, %parallel_loop3A_265] : memref<1000000x64xf32, #tpu.memory_space<hbm>> -> memref<1x64xf32, #tpu.memory_space<hbm>>
      %parallel_loop3A_267 = tpu.memref_squeeze %parallel_loop3A_266 : memref<1x64xf32, #tpu.memory_space<hbm>> -> memref<64xf32, #tpu.memory_space<hbm>>
      %parallel_loop3A_268 = arith.constant 0 : i32
      %parallel_loop3A_269 = tpu.memref_slice %arg6[%parallel_loop3A_261, %parallel_loop3A_268] : memref<512x64xf32, #tpu.memory_space<vmem>> -> memref<1x64xf32, #tpu.memory_space<vmem>>
      %parallel_loop3A_270 = tpu.memref_squeeze %parallel_loop3A_269 : memref<1x64xf32, #tpu.memory_space<vmem>> -> memref<64xf32, #tpu.memory_space<vmem>>
      %parallel_loop3A_271 = arith.constant 0 : i32
      %parallel_loop3A_272 = tpu.memref_slice %arg2[%parallel_loop3A_257, %parallel_loop3A_271] : memref<1000000x64xf32, #tpu.memory_space<hbm>> -> memref<1x64xf32, #tpu.memory_space<hbm>>
      %parallel_loop3A_273 = tpu.memref_squeeze %parallel_loop3A_272 : memref<1x64xf32, #tpu.memory_space<hbm>> -> memref<64xf32, #tpu.memory_space<hbm>>
      tpu.enqueue_dma source(%parallel_loop3A_273 : memref<64xf32, #tpu.memory_space<hbm>>) target(%parallel_loop3A_270 : memref<64xf32, #tpu.memory_space<vmem>>) target_semaphore(%arg7 : memref<!tpu.dma_semaphore, #tpu.memory_space<semaphore_mem>>)
      %parallel_loop3A_274 = arith.constant 10 : i32
      %parallel_loop3A_275 = vector.broadcast %parallel_loop3A_274 : i32 to vector<16xi32>
      %parallel_loop3A_276 = arith.cmpi eq, %iota3A, %parallel_loop3A_275 : vector<16xi32>
      %parallel_loop3A_277 = arith.constant 0 : i32
      %parallel_loop3A_278 = vector.broadcast %parallel_loop3A_277 : i32 to vector<16xi32>
      %parallel_loop3A_279 = arith.select %parallel_loop3A_276, %parallel_loop3A_13, %parallel_loop3A_278 : vector<16xi1>, vector<16xi32>
      %parallel_loop3A_280 = arith.constant true
      %parallel_loop3A_281 = vector.broadcast %parallel_loop3A_280 : i1 to vector<16xi1>
      %parallel_loop3A_282 = tpu.scan <sum>, %parallel_loop3A_279 masked %parallel_loop3A_281 : vector<16xi32>, vector<16xi1> -> vector<16xi32>
      %parallel_loop3A_283 = vector.extract %parallel_loop3A_282[15] : i32 from vector<16xi32>
      %parallel_loop3A_284 = arith.constant 16 : i32
      %parallel_loop3A_285 = arith.muli %parallel_loop3A_10, %parallel_loop3A_284 : i32
      %parallel_loop3A_286 = arith.constant 10 : i32
      %parallel_loop3A_287 = arith.addi %parallel_loop3A_285, %parallel_loop3A_286 : i32
      %parallel_loop3A_288 = arith.constant 0 : i32
      %parallel_loop3A_289 = tpu.memref_slice %arg6[%parallel_loop3A_287, %parallel_loop3A_288] : memref<512x64xf32, #tpu.memory_space<vmem>> -> memref<1x64xf32, #tpu.memory_space<vmem>>
      %parallel_loop3A_290 = tpu.memref_squeeze %parallel_loop3A_289 : memref<1x64xf32, #tpu.memory_space<vmem>> -> memref<64xf32, #tpu.memory_space<vmem>>
      %parallel_loop3A_291 = arith.constant 0 : i32
      %parallel_loop3A_292 = tpu.memref_slice %arg2[%parallel_loop3A_283, %parallel_loop3A_291] : memref<1000000x64xf32, #tpu.memory_space<hbm>> -> memref<1x64xf32, #tpu.memory_space<hbm>>
      %parallel_loop3A_293 = tpu.memref_squeeze %parallel_loop3A_292 : memref<1x64xf32, #tpu.memory_space<hbm>> -> memref<64xf32, #tpu.memory_space<hbm>>
      %parallel_loop3A_294 = arith.constant 0 : i32
      %parallel_loop3A_295 = tpu.memref_slice %arg6[%parallel_loop3A_287, %parallel_loop3A_294] : memref<512x64xf32, #tpu.memory_space<vmem>> -> memref<1x64xf32, #tpu.memory_space<vmem>>
      %parallel_loop3A_296 = tpu.memref_squeeze %parallel_loop3A_295 : memref<1x64xf32, #tpu.memory_space<vmem>> -> memref<64xf32, #tpu.memory_space<vmem>>
      %parallel_loop3A_297 = arith.constant 0 : i32
      %parallel_loop3A_298 = tpu.memref_slice %arg2[%parallel_loop3A_283, %parallel_loop3A_297] : memref<1000000x64xf32, #tpu.memory_space<hbm>> -> memref<1x64xf32, #tpu.memory_space<hbm>>
      %parallel_loop3A_299 = tpu.memref_squeeze %parallel_loop3A_298 : memref<1x64xf32, #tpu.memory_space<hbm>> -> memref<64xf32, #tpu.memory_space<hbm>>
      tpu.enqueue_dma source(%parallel_loop3A_299 : memref<64xf32, #tpu.memory_space<hbm>>) target(%parallel_loop3A_296 : memref<64xf32, #tpu.memory_space<vmem>>) target_semaphore(%arg7 : memref<!tpu.dma_semaphore, #tpu.memory_space<semaphore_mem>>)
      %parallel_loop3A_300 = arith.constant 11 : i32
      %parallel_loop3A_301 = vector.broadcast %parallel_loop3A_300 : i32 to vector<16xi32>
      %parallel_loop3A_302 = arith.cmpi eq, %iota3A, %parallel_loop3A_301 : vector<16xi32>
      %parallel_loop3A_303 = arith.constant 0 : i32
      %parallel_loop3A_304 = vector.broadcast %parallel_loop3A_303 : i32 to vector<16xi32>
      %parallel_loop3A_305 = arith.select %parallel_loop3A_302, %parallel_loop3A_13, %parallel_loop3A_304 : vector<16xi1>, vector<16xi32>
      %parallel_loop3A_306 = arith.constant true
      %parallel_loop3A_307 = vector.broadcast %parallel_loop3A_306 : i1 to vector<16xi1>
      %parallel_loop3A_308 = tpu.scan <sum>, %parallel_loop3A_305 masked %parallel_loop3A_307 : vector<16xi32>, vector<16xi1> -> vector<16xi32>
      %parallel_loop3A_309 = vector.extract %parallel_loop3A_308[15] : i32 from vector<16xi32>
      %parallel_loop3A_310 = arith.constant 16 : i32
      %parallel_loop3A_311 = arith.muli %parallel_loop3A_10, %parallel_loop3A_310 : i32
      %parallel_loop3A_312 = arith.constant 11 : i32
      %parallel_loop3A_313 = arith.addi %parallel_loop3A_311, %parallel_loop3A_312 : i32
      %parallel_loop3A_314 = arith.constant 0 : i32
      %parallel_loop3A_315 = tpu.memref_slice %arg6[%parallel_loop3A_313, %parallel_loop3A_314] : memref<512x64xf32, #tpu.memory_space<vmem>> -> memref<1x64xf32, #tpu.memory_space<vmem>>
      %parallel_loop3A_316 = tpu.memref_squeeze %parallel_loop3A_315 : memref<1x64xf32, #tpu.memory_space<vmem>> -> memref<64xf32, #tpu.memory_space<vmem>>
      %parallel_loop3A_317 = arith.constant 0 : i32
      %parallel_loop3A_318 = tpu.memref_slice %arg2[%parallel_loop3A_309, %parallel_loop3A_317] : memref<1000000x64xf32, #tpu.memory_space<hbm>> -> memref<1x64xf32, #tpu.memory_space<hbm>>
      %parallel_loop3A_319 = tpu.memref_squeeze %parallel_loop3A_318 : memref<1x64xf32, #tpu.memory_space<hbm>> -> memref<64xf32, #tpu.memory_space<hbm>>
      %parallel_loop3A_320 = arith.constant 0 : i32
      %parallel_loop3A_321 = tpu.memref_slice %arg6[%parallel_loop3A_313, %parallel_loop3A_320] : memref<512x64xf32, #tpu.memory_space<vmem>> -> memref<1x64xf32, #tpu.memory_space<vmem>>
      %parallel_loop3A_322 = tpu.memref_squeeze %parallel_loop3A_321 : memref<1x64xf32, #tpu.memory_space<vmem>> -> memref<64xf32, #tpu.memory_space<vmem>>
      %parallel_loop3A_323 = arith.constant 0 : i32
      %parallel_loop3A_324 = tpu.memref_slice %arg2[%parallel_loop3A_309, %parallel_loop3A_323] : memref<1000000x64xf32, #tpu.memory_space<hbm>> -> memref<1x64xf32, #tpu.memory_space<hbm>>
      %parallel_loop3A_325 = tpu.memref_squeeze %parallel_loop3A_324 : memref<1x64xf32, #tpu.memory_space<hbm>> -> memref<64xf32, #tpu.memory_space<hbm>>
      tpu.enqueue_dma source(%parallel_loop3A_325 : memref<64xf32, #tpu.memory_space<hbm>>) target(%parallel_loop3A_322 : memref<64xf32, #tpu.memory_space<vmem>>) target_semaphore(%arg7 : memref<!tpu.dma_semaphore, #tpu.memory_space<semaphore_mem>>)
      %parallel_loop3A_326 = arith.constant 12 : i32
      %parallel_loop3A_327 = vector.broadcast %parallel_loop3A_326 : i32 to vector<16xi32>
      %parallel_loop3A_328 = arith.cmpi eq, %iota3A, %parallel_loop3A_327 : vector<16xi32>
      %parallel_loop3A_329 = arith.constant 0 : i32
      %parallel_loop3A_330 = vector.broadcast %parallel_loop3A_329 : i32 to vector<16xi32>
      %parallel_loop3A_331 = arith.select %parallel_loop3A_328, %parallel_loop3A_13, %parallel_loop3A_330 : vector<16xi1>, vector<16xi32>
      %parallel_loop3A_332 = arith.constant true
      %parallel_loop3A_333 = vector.broadcast %parallel_loop3A_332 : i1 to vector<16xi1>
      %parallel_loop3A_334 = tpu.scan <sum>, %parallel_loop3A_331 masked %parallel_loop3A_333 : vector<16xi32>, vector<16xi1> -> vector<16xi32>
      %parallel_loop3A_335 = vector.extract %parallel_loop3A_334[15] : i32 from vector<16xi32>
      %parallel_loop3A_336 = arith.constant 16 : i32
      %parallel_loop3A_337 = arith.muli %parallel_loop3A_10, %parallel_loop3A_336 : i32
      %parallel_loop3A_338 = arith.constant 12 : i32
      %parallel_loop3A_339 = arith.addi %parallel_loop3A_337, %parallel_loop3A_338 : i32
      %parallel_loop3A_340 = arith.constant 0 : i32
      %parallel_loop3A_341 = tpu.memref_slice %arg6[%parallel_loop3A_339, %parallel_loop3A_340] : memref<512x64xf32, #tpu.memory_space<vmem>> -> memref<1x64xf32, #tpu.memory_space<vmem>>
      %parallel_loop3A_342 = tpu.memref_squeeze %parallel_loop3A_341 : memref<1x64xf32, #tpu.memory_space<vmem>> -> memref<64xf32, #tpu.memory_space<vmem>>
      %parallel_loop3A_343 = arith.constant 0 : i32
      %parallel_loop3A_344 = tpu.memref_slice %arg2[%parallel_loop3A_335, %parallel_loop3A_343] : memref<1000000x64xf32, #tpu.memory_space<hbm>> -> memref<1x64xf32, #tpu.memory_space<hbm>>
      %parallel_loop3A_345 = tpu.memref_squeeze %parallel_loop3A_344 : memref<1x64xf32, #tpu.memory_space<hbm>> -> memref<64xf32, #tpu.memory_space<hbm>>
      %parallel_loop3A_346 = arith.constant 0 : i32
      %parallel_loop3A_347 = tpu.memref_slice %arg6[%parallel_loop3A_339, %parallel_loop3A_346] : memref<512x64xf32, #tpu.memory_space<vmem>> -> memref<1x64xf32, #tpu.memory_space<vmem>>
      %parallel_loop3A_348 = tpu.memref_squeeze %parallel_loop3A_347 : memref<1x64xf32, #tpu.memory_space<vmem>> -> memref<64xf32, #tpu.memory_space<vmem>>
      %parallel_loop3A_349 = arith.constant 0 : i32
      %parallel_loop3A_350 = tpu.memref_slice %arg2[%parallel_loop3A_335, %parallel_loop3A_349] : memref<1000000x64xf32, #tpu.memory_space<hbm>> -> memref<1x64xf32, #tpu.memory_space<hbm>>
      %parallel_loop3A_351 = tpu.memref_squeeze %parallel_loop3A_350 : memref<1x64xf32, #tpu.memory_space<hbm>> -> memref<64xf32, #tpu.memory_space<hbm>>
      tpu.enqueue_dma source(%parallel_loop3A_351 : memref<64xf32, #tpu.memory_space<hbm>>) target(%parallel_loop3A_348 : memref<64xf32, #tpu.memory_space<vmem>>) target_semaphore(%arg7 : memref<!tpu.dma_semaphore, #tpu.memory_space<semaphore_mem>>)
      %parallel_loop3A_352 = arith.constant 13 : i32
      %parallel_loop3A_353 = vector.broadcast %parallel_loop3A_352 : i32 to vector<16xi32>
      %parallel_loop3A_354 = arith.cmpi eq, %iota3A, %parallel_loop3A_353 : vector<16xi32>
      %parallel_loop3A_355 = arith.constant 0 : i32
      %parallel_loop3A_356 = vector.broadcast %parallel_loop3A_355 : i32 to vector<16xi32>
      %parallel_loop3A_357 = arith.select %parallel_loop3A_354, %parallel_loop3A_13, %parallel_loop3A_356 : vector<16xi1>, vector<16xi32>
      %parallel_loop3A_358 = arith.constant true
      %parallel_loop3A_359 = vector.broadcast %parallel_loop3A_358 : i1 to vector<16xi1>
      %parallel_loop3A_360 = tpu.scan <sum>, %parallel_loop3A_357 masked %parallel_loop3A_359 : vector<16xi32>, vector<16xi1> -> vector<16xi32>
      %parallel_loop3A_361 = vector.extract %parallel_loop3A_360[15] : i32 from vector<16xi32>
      %parallel_loop3A_362 = arith.constant 16 : i32
      %parallel_loop3A_363 = arith.muli %parallel_loop3A_10, %parallel_loop3A_362 : i32
      %parallel_loop3A_364 = arith.constant 13 : i32
      %parallel_loop3A_365 = arith.addi %parallel_loop3A_363, %parallel_loop3A_364 : i32
      %parallel_loop3A_366 = arith.constant 0 : i32
      %parallel_loop3A_367 = tpu.memref_slice %arg6[%parallel_loop3A_365, %parallel_loop3A_366] : memref<512x64xf32, #tpu.memory_space<vmem>> -> memref<1x64xf32, #tpu.memory_space<vmem>>
      %parallel_loop3A_368 = tpu.memref_squeeze %parallel_loop3A_367 : memref<1x64xf32, #tpu.memory_space<vmem>> -> memref<64xf32, #tpu.memory_space<vmem>>
      %parallel_loop3A_369 = arith.constant 0 : i32
      %parallel_loop3A_370 = tpu.memref_slice %arg2[%parallel_loop3A_361, %parallel_loop3A_369] : memref<1000000x64xf32, #tpu.memory_space<hbm>> -> memref<1x64xf32, #tpu.memory_space<hbm>>
      %parallel_loop3A_371 = tpu.memref_squeeze %parallel_loop3A_370 : memref<1x64xf32, #tpu.memory_space<hbm>> -> memref<64xf32, #tpu.memory_space<hbm>>
      %parallel_loop3A_372 = arith.constant 0 : i32
      %parallel_loop3A_373 = tpu.memref_slice %arg6[%parallel_loop3A_365, %parallel_loop3A_372] : memref<512x64xf32, #tpu.memory_space<vmem>> -> memref<1x64xf32, #tpu.memory_space<vmem>>
      %parallel_loop3A_374 = tpu.memref_squeeze %parallel_loop3A_373 : memref<1x64xf32, #tpu.memory_space<vmem>> -> memref<64xf32, #tpu.memory_space<vmem>>
      %parallel_loop3A_375 = arith.constant 0 : i32
      %parallel_loop3A_376 = tpu.memref_slice %arg2[%parallel_loop3A_361, %parallel_loop3A_375] : memref<1000000x64xf32, #tpu.memory_space<hbm>> -> memref<1x64xf32, #tpu.memory_space<hbm>>
      %parallel_loop3A_377 = tpu.memref_squeeze %parallel_loop3A_376 : memref<1x64xf32, #tpu.memory_space<hbm>> -> memref<64xf32, #tpu.memory_space<hbm>>
      tpu.enqueue_dma source(%parallel_loop3A_377 : memref<64xf32, #tpu.memory_space<hbm>>) target(%parallel_loop3A_374 : memref<64xf32, #tpu.memory_space<vmem>>) target_semaphore(%arg7 : memref<!tpu.dma_semaphore, #tpu.memory_space<semaphore_mem>>)
      %parallel_loop3A_378 = arith.constant 14 : i32
      %parallel_loop3A_379 = vector.broadcast %parallel_loop3A_378 : i32 to vector<16xi32>
      %parallel_loop3A_380 = arith.cmpi eq, %iota3A, %parallel_loop3A_379 : vector<16xi32>
      %parallel_loop3A_381 = arith.constant 0 : i32
      %parallel_loop3A_382 = vector.broadcast %parallel_loop3A_381 : i32 to vector<16xi32>
      %parallel_loop3A_383 = arith.select %parallel_loop3A_380, %parallel_loop3A_13, %parallel_loop3A_382 : vector<16xi1>, vector<16xi32>
      %parallel_loop3A_384 = arith.constant true
      %parallel_loop3A_385 = vector.broadcast %parallel_loop3A_384 : i1 to vector<16xi1>
      %parallel_loop3A_386 = tpu.scan <sum>, %parallel_loop3A_383 masked %parallel_loop3A_385 : vector<16xi32>, vector<16xi1> -> vector<16xi32>
      %parallel_loop3A_387 = vector.extract %parallel_loop3A_386[15] : i32 from vector<16xi32>
      %parallel_loop3A_388 = arith.constant 16 : i32
      %parallel_loop3A_389 = arith.muli %parallel_loop3A_10, %parallel_loop3A_388 : i32
      %parallel_loop3A_390 = arith.constant 14 : i32
      %parallel_loop3A_391 = arith.addi %parallel_loop3A_389, %parallel_loop3A_390 : i32
      %parallel_loop3A_392 = arith.constant 0 : i32
      %parallel_loop3A_393 = tpu.memref_slice %arg6[%parallel_loop3A_391, %parallel_loop3A_392] : memref<512x64xf32, #tpu.memory_space<vmem>> -> memref<1x64xf32, #tpu.memory_space<vmem>>
      %parallel_loop3A_394 = tpu.memref_squeeze %parallel_loop3A_393 : memref<1x64xf32, #tpu.memory_space<vmem>> -> memref<64xf32, #tpu.memory_space<vmem>>
      %parallel_loop3A_395 = arith.constant 0 : i32
      %parallel_loop3A_396 = tpu.memref_slice %arg2[%parallel_loop3A_387, %parallel_loop3A_395] : memref<1000000x64xf32, #tpu.memory_space<hbm>> -> memref<1x64xf32, #tpu.memory_space<hbm>>
      %parallel_loop3A_397 = tpu.memref_squeeze %parallel_loop3A_396 : memref<1x64xf32, #tpu.memory_space<hbm>> -> memref<64xf32, #tpu.memory_space<hbm>>
      %parallel_loop3A_398 = arith.constant 0 : i32
      %parallel_loop3A_399 = tpu.memref_slice %arg6[%parallel_loop3A_391, %parallel_loop3A_398] : memref<512x64xf32, #tpu.memory_space<vmem>> -> memref<1x64xf32, #tpu.memory_space<vmem>>
      %parallel_loop3A_400 = tpu.memref_squeeze %parallel_loop3A_399 : memref<1x64xf32, #tpu.memory_space<vmem>> -> memref<64xf32, #tpu.memory_space<vmem>>
      %parallel_loop3A_401 = arith.constant 0 : i32
      %parallel_loop3A_402 = tpu.memref_slice %arg2[%parallel_loop3A_387, %parallel_loop3A_401] : memref<1000000x64xf32, #tpu.memory_space<hbm>> -> memref<1x64xf32, #tpu.memory_space<hbm>>
      %parallel_loop3A_403 = tpu.memref_squeeze %parallel_loop3A_402 : memref<1x64xf32, #tpu.memory_space<hbm>> -> memref<64xf32, #tpu.memory_space<hbm>>
      tpu.enqueue_dma source(%parallel_loop3A_403 : memref<64xf32, #tpu.memory_space<hbm>>) target(%parallel_loop3A_400 : memref<64xf32, #tpu.memory_space<vmem>>) target_semaphore(%arg7 : memref<!tpu.dma_semaphore, #tpu.memory_space<semaphore_mem>>)
      %parallel_loop3A_404 = arith.constant 15 : i32
      %parallel_loop3A_405 = vector.broadcast %parallel_loop3A_404 : i32 to vector<16xi32>
      %parallel_loop3A_406 = arith.cmpi eq, %iota3A, %parallel_loop3A_405 : vector<16xi32>
      %parallel_loop3A_407 = arith.constant 0 : i32
      %parallel_loop3A_408 = vector.broadcast %parallel_loop3A_407 : i32 to vector<16xi32>
      %parallel_loop3A_409 = arith.select %parallel_loop3A_406, %parallel_loop3A_13, %parallel_loop3A_408 : vector<16xi1>, vector<16xi32>
      %parallel_loop3A_410 = arith.constant true
      %parallel_loop3A_411 = vector.broadcast %parallel_loop3A_410 : i1 to vector<16xi1>
      %parallel_loop3A_412 = tpu.scan <sum>, %parallel_loop3A_409 masked %parallel_loop3A_411 : vector<16xi32>, vector<16xi1> -> vector<16xi32>
      %parallel_loop3A_413 = vector.extract %parallel_loop3A_412[15] : i32 from vector<16xi32>
      %parallel_loop3A_414 = arith.constant 16 : i32
      %parallel_loop3A_415 = arith.muli %parallel_loop3A_10, %parallel_loop3A_414 : i32
      %parallel_loop3A_416 = arith.constant 15 : i32
      %parallel_loop3A_417 = arith.addi %parallel_loop3A_415, %parallel_loop3A_416 : i32
      %parallel_loop3A_418 = arith.constant 0 : i32
      %parallel_loop3A_419 = tpu.memref_slice %arg6[%parallel_loop3A_417, %parallel_loop3A_418] : memref<512x64xf32, #tpu.memory_space<vmem>> -> memref<1x64xf32, #tpu.memory_space<vmem>>
      %parallel_loop3A_420 = tpu.memref_squeeze %parallel_loop3A_419 : memref<1x64xf32, #tpu.memory_space<vmem>> -> memref<64xf32, #tpu.memory_space<vmem>>
      %parallel_loop3A_421 = arith.constant 0 : i32
      %parallel_loop3A_422 = tpu.memref_slice %arg2[%parallel_loop3A_413, %parallel_loop3A_421] : memref<1000000x64xf32, #tpu.memory_space<hbm>> -> memref<1x64xf32, #tpu.memory_space<hbm>>
      %parallel_loop3A_423 = tpu.memref_squeeze %parallel_loop3A_422 : memref<1x64xf32, #tpu.memory_space<hbm>> -> memref<64xf32, #tpu.memory_space<hbm>>
      %parallel_loop3A_424 = arith.constant 0 : i32
      %parallel_loop3A_425 = tpu.memref_slice %arg6[%parallel_loop3A_417, %parallel_loop3A_424] : memref<512x64xf32, #tpu.memory_space<vmem>> -> memref<1x64xf32, #tpu.memory_space<vmem>>
      %parallel_loop3A_426 = tpu.memref_squeeze %parallel_loop3A_425 : memref<1x64xf32, #tpu.memory_space<vmem>> -> memref<64xf32, #tpu.memory_space<vmem>>
      %parallel_loop3A_427 = arith.constant 0 : i32
      %parallel_loop3A_428 = tpu.memref_slice %arg2[%parallel_loop3A_413, %parallel_loop3A_427] : memref<1000000x64xf32, #tpu.memory_space<hbm>> -> memref<1x64xf32, #tpu.memory_space<hbm>>
      %parallel_loop3A_429 = tpu.memref_squeeze %parallel_loop3A_428 : memref<1x64xf32, #tpu.memory_space<hbm>> -> memref<64xf32, #tpu.memory_space<hbm>>
      tpu.enqueue_dma source(%parallel_loop3A_429 : memref<64xf32, #tpu.memory_space<hbm>>) target(%parallel_loop3A_426 : memref<64xf32, #tpu.memory_space<vmem>>) target_semaphore(%arg7 : memref<!tpu.dma_semaphore, #tpu.memory_space<semaphore_mem>>)
    } {sc.loop_unroll_factor = 2 : i64, sc.parallel_access}
    %dma_wait3A = arith.constant 0 : i32
    %dma_wait3A_3 = arith.constant 0 : i32
    %dma_wait3A_4 = tpu.memref_slice %arg2[%dma_wait3A, %dma_wait3A_3] : memref<1000000x64xf32, #tpu.memory_space<hbm>> -> memref<512x64xf32, #tpu.memory_space<hbm>>
    %dma_wait3A_5 = arith.constant 0 : i32
    %dma_wait3A_6 = arith.constant 0 : i32
    %dma_wait3A_7 = tpu.memref_slice %arg2[%dma_wait3A_5, %dma_wait3A_6] : memref<1000000x64xf32, #tpu.memory_space<hbm>> -> memref<512x64xf32, #tpu.memory_space<hbm>>
    tpu.wait_dma2 semaphore(%arg7 : memref<!tpu.dma_semaphore, #tpu.memory_space<semaphore_mem>>) src(%dma_wait3A_7 : memref<512x64xf32, #tpu.memory_space<hbm>>) dst(%arg6 : memref<512x64xf32, #tpu.memory_space<vmem>>)
    %mul3A_8 = arith.constant 64 : i32
    %mul3A_9 = arith.muli %add3A, %mul3A_8 : i32
    "tpu.region"() ({
      %run_scoped3A = tpu.sem_alloc : memref<!tpu.dma_semaphore, #tpu.memory_space<semaphore_mem>>
      %dma_start3A = tpu.memref_reshape %arg6 : memref<512x64xf32, #tpu.memory_space<vmem>> -> memref<64x8x64xf32, #tpu.memory_space<vmem>>
      %dma_start3A_10 = tpu.memref_reshape %arg4 : memref<16384x64xf32, #tpu.memory_space<hbm>> -> memref<2048x8x64xf32, #tpu.memory_space<hbm>>
      %dma_start3A_11 = arith.constant 0 : i32
      %dma_start3A_12 = arith.constant 0 : i32
      %dma_start3A_13 = tpu.memref_slice %dma_start3A_10[%mul3A_9, %dma_start3A_11, %dma_start3A_12] : memref<2048x8x64xf32, #tpu.memory_space<hbm>> -> memref<64x8x64xf32, #tpu.memory_space<hbm>>
      %dma_start3A_14 = tpu.memref_reshape %arg4 : memref<16384x64xf32, #tpu.memory_space<hbm>> -> memref<2048x8x64xf32, #tpu.memory_space<hbm>>
      %dma_start3A_15 = arith.constant 0 : i32
      %dma_start3A_16 = arith.constant 0 : i32
      %dma_start3A_17 = tpu.memref_slice %dma_start3A_14[%mul3A_9, %dma_start3A_15, %dma_start3A_16] : memref<2048x8x64xf32, #tpu.memory_space<hbm>> -> memref<64x8x64xf32, #tpu.memory_space<hbm>>
      %dma_start3A_18 = tpu.memref_reshape %arg6 : memref<512x64xf32, #tpu.memory_space<vmem>> -> memref<64x8x64xf32, #tpu.memory_space<vmem>>
      tpu.enqueue_dma source(%dma_start3A_18 : memref<64x8x64xf32, #tpu.memory_space<vmem>>) target(%dma_start3A_17 : memref<64x8x64xf32, #tpu.memory_space<hbm>>) target_semaphore(%run_scoped3A : memref<!tpu.dma_semaphore, #tpu.memory_space<semaphore_mem>>)
      %dma_wait3A_19 = tpu.memref_reshape %arg6 : memref<512x64xf32, #tpu.memory_space<vmem>> -> memref<64x8x64xf32, #tpu.memory_space<vmem>>
      %dma_wait3A_20 = tpu.memref_reshape %arg4 : memref<16384x64xf32, #tpu.memory_space<hbm>> -> memref<2048x8x64xf32, #tpu.memory_space<hbm>>
      %dma_wait3A_21 = arith.constant 0 : i32
      %dma_wait3A_22 = arith.constant 0 : i32
      %dma_wait3A_23 = tpu.memref_slice %dma_wait3A_20[%mul3A_9, %dma_wait3A_21, %dma_wait3A_22] : memref<2048x8x64xf32, #tpu.memory_space<hbm>> -> memref<64x8x64xf32, #tpu.memory_space<hbm>>
      %dma_wait3A_24 = tpu.memref_reshape %arg4 : memref<16384x64xf32, #tpu.memory_space<hbm>> -> memref<2048x8x64xf32, #tpu.memory_space<hbm>>
      %dma_wait3A_25 = arith.constant 0 : i32
      %dma_wait3A_26 = arith.constant 0 : i32
      %dma_wait3A_27 = tpu.memref_slice %dma_wait3A_24[%mul3A_9, %dma_wait3A_25, %dma_wait3A_26] : memref<2048x8x64xf32, #tpu.memory_space<hbm>> -> memref<64x8x64xf32, #tpu.memory_space<hbm>>
      %dma_wait3A_28 = tpu.memref_reshape %arg6 : memref<512x64xf32, #tpu.memory_space<vmem>> -> memref<64x8x64xf32, #tpu.memory_space<vmem>>
      tpu.wait_dma2 semaphore(%run_scoped3A : memref<!tpu.dma_semaphore, #tpu.memory_space<semaphore_mem>>) src(%dma_wait3A_28 : memref<64x8x64xf32, #tpu.memory_space<vmem>>) dst(%dma_wait3A_27 : memref<64x8x64xf32, #tpu.memory_space<hbm>>)
      tpu.yield
    }) : () -> ()
    return
  }
}

</mosaic_0001>

<sc_bundles>
// kernel: kernel.3.cloned.1.call-start
scs
__scs_entry_jumppad:
0x0: {  	(pc) =	sbr.rel $0x88, $3  }
0x1: {  	(tag) =	ssettag $0x0;
	lr =	simm.s32 $0x1  }
0x2: {  	[smem:$0x3F9F] =	sst lr;
	_ =	strace $0xD0000000  }
0x3: {  	_ = 	snop  }
0x4: {  	_ = 	snop  }
0x5: {  	_ = 	snop  }
0x6: {  	_ = 	snop  }
0x7: {  	_ = 	snop  }
__scs_overlays_trampoline_lowered:
0x8: {  	[smem:$0x3FAE] =	sst s0  }
0x9: {  	[smem:$0x3FAF] =	sst s1  }
0xa: {  	[smem:$0x3FB0] =	sst s2  }
0xb: {  	[smem:$0x3FB1] =	sst s3  }
0xc: {  	[smem:$0x3FB2] =	sst s4  }
0xd: {  	[smem:$0x3FB3] =	sst s5  }
0xe: {  	[smem:$0x3FB4] =	sst s6  }
0xf: {  	[smem:$0x3FB5] =	sst s7  }
0x10: {  	[smem:$0x3FB6] =	sst s8  }
0x11: {  	[smem:$0x3FB7] =	sst s9;
	s0 =	simm.s32 @!p0 $0x0  }
0x12: {  	s1 =	sld [smem:$0x3F9D];
	s0 =	simm.s32 @p0 $0x1  }
0x13: {  	[smem:$0x3FB8] =	sst s0;
	s0 =	simm.s32 @!p1 $0x0  }
0x14: {  	s2 =	sld [smem:$0x3F9C];
	s0 =	simm.s32 @p1 $0x1  }
0x15: {  	[smem:$0x3FB9] =	sst s0;
	s0 =	simm.s32 @!p2 $0x0  }
0x16: {  	s3 =	sld [smem:$0x3FDB];
	s0 =	simm.s32 @p2 $0x1  }
0x17: {  	s4 =	simm.s32 $0x1BF5;
	[smem:$0x3FBB] =	sst s0  }
0x18: {  	s0 =	sld [smem:$0x3F9E];
	_ =	swait.ge [sflag:s4], $0x0  }
0x19: {  	s7 =	sld [smem:$0x3F9F]  }
0x1a: {  	s8 =	sadd.s32 $0xFFFFE003, lr  }
0x1b: {  	s9 =	sadd.s32 $0xFFFFFEF7, lr;
	s5 =	simm.s32 $0xFFFFFFFF;
	p2 =	slt.u32 s8, $0xFFFFF086  }
0x1c: {  	p1 =	slt.u32 s9, $0xF7A;
	s5 =	simm.s32 @!p2 $0x0  }
0x1d: {  	s5 =	simm.s32 @p1 $0x1;
	p0 =	seq.s32 s7, s2  }
0x1e: {  	s7 =	smul.u32 @!p0 $0xF7A, s2;
	p2 =	seq.s32 @!p0 s5, $0x0  }
0x1f: {  	s9 =	smul.u32 $0xF7A, s1;
	s8 =	simm.s32 @!p0 $0x1BF5;
	p2 =	por !p2, p0  }
0x20: {  	[sflag:s8] =	ssyncset.s32 @!p0 $0xFFFFF086;
	s6 =	sadd.s32 @!p0 s3, s7;
	s7 =	simm.s32 @!p0 $0x108  }
0x21: {  	s3 =	sadd.s32 s3, s9;
	s6 =	sadd.s32 @!p0 $0x88, s6;
	s7 =	simm.s32 @p2 $0x1082  }
0x22: {  	[simem:s7], [sflag:s8] =	dma.local @!p0 [hbm:s6], $0xF7A  }
0x23: {  	s9 =	sor.u32 $0xD0000000, s2;
	s6 =	simm.s32 $0x108;
	_ =	swait.ge @!p0 [sflag:s8], $0x0  }
0x24: {  	s3 =	sadd.s32 $0x88, s3;
	s6 =	simm.s32 @!p1 $0x1082;
	[sflag:s4] =	ssyncset.s32 $0xFFFFF086  }
0x25: {  	[simem:s6], [sflag:s4] =	dma.local [hbm:s3], $0xF7A  }
0x26: {  	[smem:$0x3F9F] =	sst s1;
	(tag) =	ssettag s2;
	_ =	strace s9  }
0x27: {  	s1 =	sld [smem:$0x3FAF]  }
0x28: {  	s2 =	sld [smem:$0x3FB0]  }
0x29: {  	s4 =	sld [smem:$0x3FB2]  }
0x2a: {  	p0 =	seq.s32 s5, $0x0;
	s5 =	sld [smem:$0x3FB3]  }
0x2b: {  	s6 =	sld [smem:$0x3FB4]  }
0x2c: {  	s7 =	sld [smem:$0x3FB5]  }
0x2d: {  	s3 =	simm.s32 $0x108;
	s8 =	sld [smem:$0x3FB6]  }
0x2e: {  	s3 =	simm.s32 @!p0 $0x1082;
	s9 =	sld [smem:$0x3FB7]  }
0x2f: {  	lr =	sadd.s32 s0, s3;
	s0 =	sld [smem:$0x3FAE]  }
0x30: {  	s3 =	sld [smem:$0x3FB1]  }
0x31: {  	[smem:$0x3FBA] =	sst s10  }
0x32: {  	s10 =	sld [smem:$0x3FB8];
	_ =	sdelay $0x3  }
0x33: {  	p0 =	seq.s32 s10, $0x1;
	s10 =	sld [smem:$0x3FBA];
	_ =	sdelay $0x3  }
0x34: {  	[smem:$0x3FBA] =	sst s10  }
0x35: {  	s10 =	sld [smem:$0x3FB9];
	_ =	sdelay $0x3  }
0x36: {  	p1 =	seq.s32 s10, $0x1;
	s10 =	sld [smem:$0x3FBA];
	_ =	sdelay $0x3  }
0x37: {  	[smem:$0x3FBA] =	sst s10  }
0x38: {  	s10 =	sld [smem:$0x3FBB]  }
0x39: {  	_ = 	snop;
	(pc) =	sbr.ind lr, $3  }
0x3a: {  	_ = 	snop  }
0x3b: {  	_ = 	snop  }
0x3c: {  	p2 =	seq.s32 s10, $0x1;
	s10 =	sld [smem:$0x3FBA]  }
0x3d: {  	_ =	shalt  }
0x3e: {  	_ =	shalt  }
0x3f: {  	_ =	shalt  }
0x40: {  	_ =	shalt  }
0x41: {  	_ =	shalt  }
0x42: {  	_ =	shalt  }
0x43: {  	_ =	shalt  }
0x44: {  	_ =	shalt  }
0x45: {  	_ =	shalt  }
0x46: {  	_ =	shalt  }
0x47: {  	_ =	shalt  }
0x48: {  	_ =	shalt  }
0x49: {  	_ =	shalt  }
0x4a: {  	_ =	shalt  }
0x4b: {  	_ =	shalt  }
0x4c: {  	_ =	shalt  }
0x4d: {  	_ =	shalt  }
0x4e: {  	_ =	shalt  }
0x4f: {  	_ =	shalt  }
0x50: {  	_ =	shalt  }
0x51: {  	_ =	shalt  }
0x52: {  	_ =	shalt  }
0x53: {  	_ =	shalt  }
0x54: {  	_ =	shalt  }
0x55: {  	_ =	shalt  }
0x56: {  	_ =	shalt  }
0x57: {  	_ =	shalt  }
0x58: {  	_ =	shalt  }
0x59: {  	_ =	shalt  }
0x5a: {  	_ =	shalt  }
0x5b: {  	_ =	shalt  }
0x5c: {  	_ =	shalt  }
0x5d: {  	_ =	shalt  }
0x5e: {  	_ =	shalt  }
0x5f: {  	_ =	shalt  }
0x60: {  	_ =	shalt  }
0x61: {  	_ =	shalt  }
0x62: {  	_ =	shalt  }
0x63: {  	_ =	shalt  }
0x64: {  	_ =	shalt  }
0x65: {  	_ =	shalt  }
0x66: {  	_ =	shalt  }
0x67: {  	_ =	shalt  }
0x68: {  	_ =	shalt  }
0x69: {  	_ =	shalt  }
0x6a: {  	_ =	shalt  }
0x6b: {  	_ =	shalt  }
0x6c: {  	_ =	shalt  }
0x6d: {  	_ =	shalt  }
0x6e: {  	_ =	shalt  }
0x6f: {  	_ =	shalt  }
0x70: {  	_ =	shalt  }
0x71: {  	_ =	shalt  }
0x72: {  	_ =	shalt  }
0x73: {  	_ =	shalt  }
0x74: {  	_ =	shalt  }
0x75: {  	_ =	shalt  }
0x76: {  	_ =	shalt  }
0x77: {  	_ =	shalt  }
0x78: {  	_ =	shalt  }
0x79: {  	_ =	shalt  }
0x7a: {  	_ =	shalt  }
0x7b: {  	_ =	shalt  }
0x7c: {  	_ =	shalt  }
0x7d: {  	_ =	shalt  }
0x7e: {  	_ =	shalt  }
0x7f: {  	_ =	shalt  }
0x80: {  	_ =	shalt  }
0x81: {  	_ =	shalt  }
0x82: {  	_ =	shalt  }
0x83: {  	_ =	shalt  }
0x84: {  	_ =	shalt  }
0x85: {  	_ =	shalt  }
0x86: {  	_ =	shalt  }
0x87: {  	_ =	shalt  }
.Lfunc_end0:
.L_simem_size_0:
called_computation_lowered:
.L_overlay_start_0:
0x88: {  	s2 =	sld [smem:$0x3FD9]  }
0x89: {  	s3 =	sld [smem:$0x3FFE];
	_ =	sdelay $0x1  }
0x8a: {  	s1 =	srdreg.scid  }
0x8b: {  	s0 =	sand.u32 $0x1, s1  }
0x8c: {  	s17 =	sshll.u32 s0, $0xA;
	s2 =	sadd.s32 s3, s2  }
0x8d: {  	s2 =	sadd.s32 s2, s17  }
0x8e: {  	[smem:$0x3FC6] =	sst s2  }
0x8f: {  	_ = 	snop  }
0x90: {  	s2 =	sld [smem:$0x3FD0];
	(tm) =	ssettm $0x1  }
0x91: {  	s18 =	sld [smem:$0x3FFB];
	_ =	sdelay $0x3  }
0x92: {  	_ =	strace s18  }
0x93: {  	s3 =	sld [smem:$0x3FFC];
	_ =	sdelay $0x3  }
0x94: {  	_ =	strace s3  }
0x95: {  	s3 =	sld [smem:$0x3FFD];
	_ =	sdelay $0x3  }
0x96: {  	_ =	strace s3  }
0x97: {  	_ =	strace $0x8FFFFFFF  }
0x98: {  	s19 =	sld [smem:$0x3FDB];
	_ =	sdelay $0x1  }
0x99: {  	s4 =	simm.s32 $_scs_section_size  }
0x9a: {  	s5 =	simm.s32 $_size__tile_overlayer_lowered;
	s6 =	simm.s32 $_tile_overlayer_lowered  }
0x9b: {  	s22 =	simm.s32 $0x1BFF;
	s21 =	sshll.u32 s6, $0x1;
	s3 =	sadd.s32 s4, s19  }
0x9c: {  	s7 =	simm.s32 $0x0;
	s20 =	sshll.u32 s5, $0x1;
	s5 =	sadd.s32 s21, s3  }
0x9d: {  	[timem:s7], [sflag:s22] =	dma.local [hbm:s5], s20  }
0x9e: {  	_ =	swait.ge [sflag:s22], s20  }
0x9f: {  	s4 =	ssub.s32 $0x0, s20;
	[sflag:s22] =	ssyncset.done $0x0  }
0xa0: {  	[sflag:s22] =	ssyncadd.s32 s4;
	_ =	sdelay $0x1  }
0xa1: {  	s23 =	simm.s32 $0x1B8B  }
0xa2: {  	_ =	swait.ge [sflag:s23], $0x1  }
0xa3: {  	[sflag:s23] =	ssyncset.done $0x0  }
0xa4: {  	s25 =	simm.s32 $0x1B8E;
	s24 =	sld [smem:$0x3FFE];
	[sflag:s23] =	ssyncadd.s32 $0xFFFFFFFF  }
0xa5: {  	s26 =	simm.s32 $execute0_lowered;
	[smem:$0x3FD2] =	sst s25  }
0xa6: {  	s5 =	sshll.u32 s26, $0x1;
	_ =	strace $0x80000046;
	[dreg:$0x1] =	wrdreg $0xFFFFFFFF  }
0xa7: {  	s28 =	simm.s32 $_size_execute0_lowered;
	s3 =	sadd.s32 s3, s5;
	[dreg:$0x0] =	wrdreg $0x0  }
0xa8: {  	s5 =	sshll.u32 s28, $0x1;
	[dreg:$0x2] =	wrdreg s3  }
0xa9: {  	[dreg:$0x3] =	wrdreg s5  }
0xaa: {  	[dreg:$0x4] =	wrdreg $0xC0  }
0xab: {  	_ =	task [dreg:s7], $0x5FFFF  }
0xac: {  	[dreg:$0x1] =	wrdreg $0xFFFFFFFF  }
0xad: {  	[dreg:$0x0] =	wrdreg $0x60  }
0xae: {  	[dreg:$0x2] =	wrdreg s24  }
0xaf: {  	[dreg:$0x3] =	wrdreg s2  }
0xb0: {  	[dreg:$0x4] =	wrdreg $0x9  }
0xb1: {  	_ =	task.clear_ibuf [dreg:s7], $0x5FFFF;
	_ =	strace $0x90000046  }
0xb2: {  	s29 =	simm.s32 $0x9;
	_ =	strace $0x80000048  }
0xb3: {  	_ =	swait.ge [sflag:s29], $0x1  }
0xb4: {  	[sflag:s29] =	ssyncadd.s32 $0xFFFFFFFF  }
0xb5: {  	_ =	strace $0x90000048  }
0xb6: {  	_ =	sfence  }
0xb7: {  	s30 =	sld [smem:$0x0];
	_ =	sdelay $0x2  }
0xb8: {  	s31 =	sshll.u32 s1, $0xD;
	s1 =	sshrl.u32 s1, $0x2  }
0xb9: {  	s3 =	sand.u32 $0x4000, s31;
	s1 =	sadd.s32 s1, s30  }
0xba: {  	s0 =	sor.u32 s3, s0;
	s1 =	sshll.u32 s1, $0x11  }
0xbb: {  	s0 =	sor.u32 s1, s0  }
0xbc: {  	s0 =	sadd.s32 $0x8F2B, s0  }
0xbd: {  	[sflag:s0] =	ssyncadd.remote.s32 $0x1  }
0xbe: {  	_ =	sfence.sel $0xFFFF  }
0xbf: {  	[dreg:$0x0] =	wrdreg $0xFFFFFFFF;
	(pc) =	sbr.abs _section_cstart, $3  }
0xc0: {  	[dreg:$0x1] =	wrdreg $0xFFFFFFFF  }
0xc1: {  	_ =	task.clear_ibuf [dreg:s7], $0x2FFFF;
	_ =	strace $0x9FFFFFFF  }
0xc2: {  	(tm) =	ssettm $0x7FFFFFFF  }
0xc3: {  	_ =	shalt  }
tec
execute0_lowered:
.L_overlay_start_1:
0x0: {  	(tag) =	ssettag $0x1  }
0x1: {  	s0 =	rddreg [dreg:$0x0]  }
0x2: {  	s1 =	rddreg [dreg:$0x1]  }
0x3: {  	s2 =	simm.s32 $0x0;
	s3 =	srdreg.scid;
	s5 =	stileid.u32  }
0x4: {  	[smem:$0x7FF] =	sst s2;
	s4 =	sand.u32 $0x1, s3;
	s5 =	sshll.u32 s5, $0x1  }
0x5: {  	vm0 =	vmmov $0x1;
	s3 =	sadd.s32 $0x400, s0;
	_ =	strace $0x80000047;
	s5 =	sor.u32 s4, s5  }
0x6: {  	vm1 =	vcmask $0x308;
	vm2 =	vcmask $0x70C;
	vm3 =	vcmask $0xB10;
	s4 =	ssub.s32 $0x2, s4;
	s6 =	sshll.u32 s5, $0xD;
	s5 =	sshll.u32 s5, $0x9  }
0x7: {  	vm4 =	vcmask $0xF14;
	vm5 =	vcmask $0x1318;
	vm6 =	vcmask $0x171C;
	s7 =	sshrl.u32 s4, $0x1;
	s0 =	sadd.s32 s6, s0;
	s1 =	sadd.s32 s1, s5  }
0x8: {  	vm7 =	vcmask $0x1B20;
	vm8 =	vcmask $0x1F24;
	vm9 =	vcmask $0x2328;
	s4 =	ssub.s32 s4, s7;
	[dreg:$0x10] =	wrdreg s1;
	s0 =	sadd.s32 $0xF42800, s0  }
0x9: {  	vm10 =	vcmask $0x272C;
	vm11 =	vcmask $0x2B30;
	vm12 =	vcmask $0x2F34;
	s31 =	smax.u32 s4, $0x1;
	[dreg:$0x11] =	wrdreg s0  }
0xa: {  	vm13 =	vcmask $0x3338;
	vm14 =	vcmask $0x373C;
	vm15 =	vmmov $0x7fff;
	s1 =	simm.s32 $0x2;
	s4 =	simm.s32 $0x0;
	[dreg:$0x12] =	wrdreg s31  }
.LBB2_1:
0xb: {  	[dreg:$0x13] =	wrdreg s4  }
0xc: {  	s0 =	rddreg [dreg:$0x10];
	s2 =	simm.s32 $0x0  }
0xd: {  	[tilespmem:s2], [sflag:$0x2] =	stream.linear.gather [hbm4b:s0+s2], $0x1000, $0x38;
	[tilespmem:$0x11000] =	vst v63  }
0xe: {  	_ =	swait.ge [sflag:s1], $0x1000  }
0xf: {  	[sflag:s1] =	ssyncset.done $0x0  }
0x10: {  	s11 =	simm.s32 $0x80;
	[sflag:s1] =	ssyncadd.s32 $0xFFFFF000  }
0x11: {  	v0 =	vld [tilespmem:s11+$0xFFFFFF80];
	_ =	sdelay $0x4  }
0x12: {  	v1 =	vnsel vm0, $0x0, v0  }
0x13: {  	v2 =	vsel vm1, $0x0, v0;
	(xrf0) =	vadd.scan.msk.s32 $0xffff, v1  }
0x14: {  	v1 =	vsel vm2, $0x0, v0;
	(xrf0) =	vadd.scan.msk.s32 $0xffff, v2  }
0x15: {  	(xrf0) =	vadd.scan.msk.s32 $0xffff, v1;
	v1 =	vsel vm3, $0x0, v0  }
0x16: {  	v2 =	vsel vm4, $0x0, v0;
	(xrf0) =	vadd.scan.msk.s32 $0xffff, v1;
	v1 =	vsel vm5, $0x0, v0  }
0x17: {  	(xrf0) =	vadd.scan.msk.s32 $0xffff, v2;
	v2 =	vsel vm6, $0x0, v0;
	_ =	sdelay $0x1  }
0x18: {  	(xrf0) =	vadd.scan.msk.s32 $0xffff, v1;
	v1, _, _ =	vpop (xrf0)  }
0x19: {  	(xrf0) =	vadd.scan.msk.s32 $0xffff, v2;
	v2, _, _ =	vpop (xrf0)  }
0x1a: {  	v3 =	vsel vm7, $0x0, v0;
	(v2sf) =	vpush v1, $0xF;
	v1, _, _ =	vpop (xrf0)  }
0x1b: {  	(v2sf) =	vpush v1, $0xF;
	v1 =	vsel vm8, $0x0, v0;
	_ =	sdelay $0x1  }
0x1c: {  	v4 =	vsel vm9, $0x0, v0;
	(xrf0) =	vadd.scan.msk.s32 $0xffff, v3;
	v3, _, _ =	vpop (xrf0)  }
0x1d: {  	(xrf0) =	vadd.scan.msk.s32 $0xffff, v1;
	(v2sf) =	vpush v3, $0xF;
	v1, _, _ =	vpop (xrf0)  }
0x1e: {  	(xrf0) =	vadd.scan.msk.s32 $0xffff, v4;
	(v2sf) =	vpush v1, $0xF;
	v1, _, _ =	vpop (xrf0)  }
0x1f: {  	v3 =	vsel vm10, $0x0, v0;
	v4, _, _ =	vpop (xrf0);
	(v2sf) =	vpush v1, $0xF;
	v1 =	vsel vm11, $0x0, v0  }
0x20: {  	(xrf0) =	vadd.scan.msk.s32 $0xffff, v3;
	(v2sf) =	vpush v4, $0xF  }
0x21: {  	(v2sf) =	vpush v2, $0xF  }
0x22: {  	(xrf0) =	vadd.scan.msk.s32 $0xffff, v1;
	v1, _, _ =	vpop (xrf0)  }
0x23: {  	v3 =	vsel vm12, $0x0, v0;
	v4, _, _ =	vpop (xrf0)  }
0x24: {  	(xrf0) =	vadd.scan.msk.s32 $0xffff, v3;
	v2, _, _ =	vpop (xrf0);
	(v2sf) =	vpush v4, $0xF  }
0x25: {  	v3 =	vsel vm13, $0x0, v0;
	(v2sf) =	vpush v2, $0xF  }
0x26: {  	(xrf0) =	vadd.scan.msk.s32 $0xffff, v3;
	v2, _, _ =	vpop (xrf0)  }
0x27: {  	(v2sf) =	vpush v2, $0xF  }
0x28: {  	v2, _, _ =	vpop (xrf0)  }
0x29: {  	s22 =	simm.s32 $0x180;
	s12 =	spop (v2sf);
	(v2sf) =	vpush v2, $0xF  }
0x2a: {  	s10 =	simm.s32 $0x1480;
	s21 =	simm.s32 $0x1080;
	s23 =	simm.s32 $0x1100;
	v2, _, _ =	vpop (xrf0)  }
0x2b: {  	s25 =	simm.s32 $0x1180;
	s26 =	simm.s32 $0x1300;
	s13 =	spop (v2sf);
	(v2sf) =	vpush v2, $0xF  }
0x2c: {  	s28 =	simm.s32 $0x1200;
	s0 =	sshll.u32 s12, $0x4;
	v2, _, _ =	vpop (xrf0);
	s14 =	spop (v2sf)  }
0x2d: {  	s12 =	simm.s32 $0x1500;
	s0 =	sand.u32 $0x1FFFFFF0, s0;
	s16 =	spop (v2sf);
	(v2sf) =	vpush v2, $0xF  }
0x2e: {  	s1 =	sshll.u32 s13, $0x4;
	s6 =	sadd.s32 s3, s0;
	s18 =	spop (v2sf)  }
0x2f: {  	s5 =	sand.u32 $0x1FFFFFF0, s1;
	s15 =	sshll.u32 s14, $0x4;
	(v2sf) =	vpush v1, $0xF;
	s19 =	spop (v2sf)  }
0x30: {  	s7 =	sand.u32 $0x1FFFFFF0, s15;
	s17 =	sshll.u32 s16, $0x4;
	s15 =	spop (v2sf)  }
0x31: {  	s9 =	sshll.u32 s19, $0x4;
	s19 =	simm.s32 $0x1000;
	s15 =	sshll.u32 s15, $0x4  }
0x32: {  	[tilespmem:s19], [sflag:$0x1] =	stream.linear.gather [hbm4b:s6+s2], $0x80, $0x38;
	[tilespmem:$0x11000] =	vst v63  }
0x33: {  	s4 =	sand.u32 $0x1FFFFFF0, s17;
	s15 =	sand.u32 $0x1FFFFFF0, s15;
	s17 =	spop (v2sf)  }
0x34: {  	s8 =	sshll.u32 s18, $0x4;
	s20 =	sadd.s32 s3, s15;
	s18 =	spop (v2sf)  }
0x35: {  	v1 =	vsel vm14, $0x0, v0;
	[tilespmem:s21], [sflag:$0x1] =	stream.linear.gather [hbm4b:s20+s2], $0x80, $0x38;
	[tilespmem:$0x11000] =	vst v63  }
0x36: {  	s0 =	simm.s32 $0x1600;
	s5 =	sadd.s32 s3, s5;
	(xrf0) =	vadd.scan.msk.s32 $0xffff, v1;
	s15 =	spop (v2sf)  }
0x37: {  	v0 =	vsel vm15, $0x0, v0;
	[tilespmem:s23], [sflag:$0x1] =	stream.linear.gather [hbm4b:s5+s2], $0x80, $0x38;
	[tilespmem:$0x11000] =	vst v63  }
0x38: {  	s13 =	simm.s32 $0x1380;
	s24 =	sadd.s32 s3, s7;
	(xrf0) =	vadd.scan.msk.s32 $0xffff, v0;
	s6 =	spop (v2sf)  }
0x39: {  	[tilespmem:s25], [sflag:$0x1] =	stream.linear.gather [hbm4b:s24+s2], $0x80, $0x38;
	[tilespmem:$0x11000] =	vst v63  }
0x3a: {  	s4 =	sadd.s32 s3, s4;
	s8 =	sand.u32 $0x1FFFFFF0, s8;
	s7 =	spop (v2sf)  }
0x3b: {  	[tilespmem:s28], [sflag:$0x1] =	stream.linear.gather [hbm4b:s4+s2], $0x80, $0x38;
	[tilespmem:$0x11000] =	vst v63  }
0x3c: {  	s16 =	simm.s32 $0x1280;
	s30 =	sadd.s32 s3, s8;
	v0, _, _ =	vpop (xrf0);
	s20 =	spop (v2sf)  }
0x3d: {  	(v2sf) =	vpush v0, $0xF;
	[tilespmem:s16], [sflag:$0x1] =	stream.linear.gather [hbm4b:s30+s2], $0x80, $0x38;
	[tilespmem:$0x11000] =	vst v63  }
0x3e: {  	s1 =	simm.s32 $0x1580;
	s9 =	sand.u32 $0x1FFFFFF0, s9;
	v0, _, _ =	vpop (xrf0);
	s21 =	spop (v2sf)  }
0x3f: {  	s14 =	simm.s32 $0x1400;
	s9 =	sadd.s32 s3, s9;
	(v2sf) =	vpush v0, $0xF;
	s31 =	sshll.u32 s21, $0x4  }
0x40: {  	[tilespmem:s26], [sflag:$0x1] =	stream.linear.gather [hbm4b:s9+s2], $0x80, $0x38;
	[tilespmem:$0x11000] =	vst v63  }
0x41: {  	s17 =	sshll.u32 s17, $0x4;
	s19 =	sshll.u32 s18, $0x4;
	s8 =	sand.u32 $0x1FFFFFF0, s31  }
0x42: {  	s5 =	sand.u32 $0x1FFFFFF0, s19;
	s4 =	sand.u32 $0x1FFFFFF0, s17;
	v0 =	vld [tilespmem:s22+$0xFFFFFF80];
	s8 =	sadd.s32 s3, s8  }
0x43: {  	[tilespmem:s13], [sflag:$0x1] =	stream.linear.gather [hbm4b:s8+s2], $0x80, $0x38;
	[tilespmem:$0x11000] =	vst v63  }
0x44: {  	s6 =	sshll.u32 s6, $0x4;
	s4 =	sadd.s32 s3, s4;
	s21 =	sshll.u32 s15, $0x4  }
0x45: {  	[tilespmem:s14], [sflag:$0x1] =	stream.linear.gather [hbm4b:s4+s2], $0x80, $0x38;
	[tilespmem:$0x11000] =	vst v63  }
0x46: {  	s5 =	sadd.s32 s3, s5;
	s24 =	sand.u32 $0x1FFFFFF0, s6;
	s23 =	sand.u32 $0x1FFFFFF0, s21  }
0x47: {  	v1 =	vnsel vm0, $0x0, v0;
	[tilespmem:s10], [sflag:$0x1] =	stream.linear.gather [hbm4b:s5+s2], $0x80, $0x38;
	[tilespmem:$0x11000] =	vst v63  }
0x48: {  	s25 =	sshll.u32 s7, $0x4;
	s28 =	sshll.u32 s20, $0x4;
	s4 =	sadd.s32 s3, s23;
	(xrf0) =	vadd.scan.msk.s32 $0xffff, v1  }
0x49: {  	v2 =	vsel vm1, $0x0, v0;
	[tilespmem:s12], [sflag:$0x1] =	stream.linear.gather [hbm4b:s4+s2], $0x80, $0x38;
	[tilespmem:$0x11000] =	vst v63  }
0x4a: {  	s26 =	sand.u32 $0x1FFFFFF0, s25;
	s30 =	sand.u32 $0x1FFFFFF0, s28;
	(xrf0) =	vadd.scan.msk.s32 $0xffff, v2;
	s5 =	sadd.s32 s3, s24  }
0x4b: {  	v1 =	vsel vm2, $0x0, v0;
	[tilespmem:s1], [sflag:$0x1] =	stream.linear.gather [hbm4b:s5+s2], $0x80, $0x38;
	[tilespmem:$0x11000] =	vst v63  }
0x4c: {  	(xrf0) =	vadd.scan.msk.s32 $0xffff, v1;
	s4 =	sadd.s32 s3, s26;
	s1 =	sadd.s32 s3, s30;
	s31 =	spop (v2sf)  }
0x4d: {  	v2 =	vsel vm3, $0x0, v0;
	[tilespmem:s0], [sflag:$0x1] =	stream.linear.gather [hbm4b:s4+s2], $0x80, $0x38;
	[tilespmem:$0x11000] =	vst v63  }
0x4e: {  	(xrf0) =	vadd.scan.msk.s32 $0xffff, v2;
	s4 =	simm.s32 $0x1680;
	s5 =	sshll.u32 s31, $0x4;
	s7 =	spop (v2sf)  }
0x4f: {  	v1 =	vsel vm4, $0x0, v0;
	[tilespmem:s4], [sflag:$0x1] =	stream.linear.gather [hbm4b:s1+s2], $0x80, $0x38;
	[tilespmem:$0x11000] =	vst v63  }
0x50: {  	v2 =	vsel vm5, $0x0, v0;
	(xrf0) =	vadd.scan.msk.s32 $0xffff, v1;
	s6 =	sand.u32 $0x1FFFFFF0, s5;
	s1 =	sshll.u32 s7, $0x4  }
0x51: {  	s8 =	simm.s32 $0x1700;
	(xrf0) =	vadd.scan.msk.s32 $0xffff, v2;
	s0 =	sadd.s32 s3, s6;
	s9 =	sand.u32 $0x1FFFFFF0, s1  }
0x52: {  	v1 =	vsel vm6, $0x0, v0;
	[tilespmem:s8], [sflag:$0x1] =	stream.linear.gather [hbm4b:s0+s2], $0x80, $0x38;
	[tilespmem:$0x11000] =	vst v63  }
0x53: {  	s10 =	simm.s32 $0x1780;
	(xrf0) =	vadd.scan.msk.s32 $0xffff, v1;
	s0 =	sadd.s32 s3, s9  }
0x54: {  	v2 =	vsel vm7, $0x0, v0;
	v3, _, _ =	vpop (xrf0);
	[tilespmem:s10], [sflag:$0x1] =	stream.linear.gather [hbm4b:s0+s2], $0x80, $0x38;
	[tilespmem:$0x11000] =	vst v63  }
0x55: {  	v1 =	vsel vm8, $0x0, v0;
	v4, _, _ =	vpop (xrf0);
	(xrf0) =	vadd.scan.msk.s32 $0xffff, v2;
	v10 =	vld [tilespmem:s11+$0x0]  }
0x56: {  	v2 =	vsel vm9, $0x0, v0;
	(v2sf) =	vpush v3, $0xF;
	v3, _, _ =	vpop (xrf0);
	(xrf0) =	vadd.scan.msk.s32 $0xffff, v1  }
0x57: {  	v1 =	vsel vm10, $0x0, v0;
	(v2sf) =	vpush v3, $0xF;
	v3, _, _ =	vpop (xrf0);
	(xrf0) =	vadd.scan.msk.s32 $0xffff, v2  }
0x58: {  	v2 =	vsel vm11, $0x0, v0;
	(v2sf) =	vpush v3, $0xF;
	v3, _, _ =	vpop (xrf0);
	(xrf0) =	vadd.scan.msk.s32 $0xffff, v1;
	v1 =	vsel vm12, $0x0, v0  }
0x59: {  	(v2sf) =	vpush v3, $0xF;
	v3, _, _ =	vpop (xrf0);
	(xrf0) =	vadd.scan.msk.s32 $0xffff, v2  }
0x5a: {  	v2 =	vsel vm13, $0x0, v0;
	v5, _, _ =	vpop (xrf0);
	(xrf0) =	vadd.scan.msk.s32 $0xffff, v1;
	v6 =	vnsel vm0, $0x0, v10  }
0x5b: {  	(v2sf) =	vpush v3, $0xF;
	v1, _, _ =	vpop (xrf0);
	(xrf0) =	vadd.scan.msk.s32 $0xffff, v2  }
0x5c: {  	(v2sf) =	vpush v5, $0xF;
	v3, _, _ =	vpop (xrf0);
	v2 =	vsel vm1, $0x0, v10;
	(xrf0) =	vadd.scan.msk.s32 $0xffff, v6  }
0x5d: {  	v5 =	vsel vm2, $0x0, v10;
	v6, _, _ =	vpop (xrf0);
	(xrf0) =	vadd.scan.msk.s32 $0xffff, v2  }
0x5e: {  	v2 =	vsel vm3, $0x0, v10;
	v7, _, _ =	vpop (xrf0);
	(xrf0) =	vadd.scan.msk.s32 $0xffff, v5  }
0x5f: {  	v5 =	vsel vm4, $0x0, v10;
	v11, _, _ =	vpop (xrf0);
	(xrf0) =	vadd.scan.msk.s32 $0xffff, v2  }
0x60: {  	v2 =	vsel vm5, $0x0, v10;
	v12, _, _ =	vpop (xrf0);
	(xrf0) =	vadd.scan.msk.s32 $0xffff, v5  }
0x61: {  	v5 =	vsel vm6, $0x0, v10;
	v13, _, _ =	vpop (xrf0);
	(xrf0) =	vadd.scan.msk.s32 $0xffff, v2  }
0x62: {  	s18 =	simm.s32 $0x2;
	v2 =	vsel vm7, $0x0, v10;
	v14, _, _ =	vpop (xrf0);
	(xrf0) =	vadd.scan.msk.s32 $0xffff, v5  }
0x63: {  	s19 =	simm.s32 $0x1980;
	s16 =	simm.s32 $0x1F80;
	s20 =	simm.s32 $0x1A00;
	(v2sf) =	vpush v4, $0xF;
	v5 =	vsel vm8, $0x0, v10;
	v4, _, _ =	vpop (xrf0);
	(xrf0) =	vadd.scan.msk.s32 $0xffff, v2  }
0x64: {  	s15 =	simm.s32 $0x1A80;
	s25 =	simm.s32 $0x1800;
	s13 =	simm.s32 $0x1B00;
	(v2sf) =	vpush v3, $0xF;
	v2 =	vsel vm9, $0x0, v10;
	v3, _, _ =	vpop (xrf0);
	(xrf0) =	vadd.scan.msk.s32 $0xffff, v5  }
0x65: {  	s23 =	simm.s32 $0x1900;
	s24 =	simm.s32 $0x1880;
	s12 =	spop (v2sf);
	(v2sf) =	vpush v6, $0xF;
	v5 =	vsel vm10, $0x0, v10;
	v9, _, _ =	vpop (xrf0);
	(xrf0) =	vadd.scan.msk.s32 $0xffff, v2  }
0x66: {  	s11 =	simm.s32 $0x2F80;
	s0 =	sshll.u32 s12, $0x4;
	s14 =	spop (v2sf);
	(v2sf) =	vpush v7, $0xF;
	v2 =	vsel vm14, $0x0, v0;
	v8, _, _ =	vpop (xrf0);
	(xrf0) =	vadd.scan.msk.s32 $0xffff, v5;
	v5 =	vsel vm11, $0x0, v10  }
0x67: {  	s0 =	sand.u32 $0x1FFFFFF0, s0;
	s1 =	sshll.u32 s14, $0x4;
	s17 =	spop (v2sf);
	(v2sf) =	vpush v14, $0xF;
	(xrf0) =	vadd.scan.msk.s32 $0xffff, v2;
	v7, _, _ =	vpop (xrf0)  }
0x68: {  	s0 =	sadd.s32 s3, s0;
	s14 =	simm.s32 $0x2780;
	s6 =	sand.u32 $0x1FFFFFF0, s1;
	(v2sf) =	vpush v11, $0xF;
	v0 =	vsel vm15, $0x0, v0;
	v6, _, _ =	vpop (xrf0);
	(xrf0) =	vadd.scan.msk.s32 $0xffff, v5  }
0x69: {  	s21 =	sshll.u32 s17, $0x4;
	s26 =	spop (v2sf);
	s17 =	simm.s32 $0x280;
	(v2sf) =	vpush v4, $0xF;
	v2 =	vsel vm12, $0x0, v10;
	(xrf0) =	vadd.scan.msk.s32 $0xffff, v0;
	v5, _, _ =	vpop (xrf0);
	v0 =	vsel vm13, $0x0, v10  }
0x6a: {  	s7 =	sand.u32 $0x1FFFFFF0, s21;
	s28 =	sshll.u32 s26, $0x4;
	s30 =	spop (v2sf);
	(v2sf) =	vpush v3, $0xF;
	v4, _, _ =	vpop (xrf0);
	(xrf0) =	vadd.scan.msk.s32 $0xffff, v2  }
0x6b: {  	s21 =	simm.s32 $0x2680;
	s26 =	simm.s32 $0x2600;
	s31 =	spop (v2sf);
	v11 =	vsel vm14, $0x0, v10;
	(v2sf) =	vpush v12, $0xF;
	v3, _, _ =	vpop (xrf0);
	(xrf0) =	vadd.scan.msk.s32 $0xffff, v0  }
0x6c: {  	s9 =	sand.u32 $0x1FFFFFF0, s28;
	s5 =	sshll.u32 s30, $0x4;
	s29 =	sshll.u32 s31, $0x4;
	(v2sf) =	vpush v13, $0xF;
	v2 =	vsel vm15, $0x0, v10;
	v0, _, _ =	vpop (xrf0);
	(xrf0) =	vadd.scan.msk.s32 $0xffff, v11  }
.LBB2_2:
0x6d: {  	[dreg:$0xe] =	wrdreg s20  }
0x6e: {  	[dreg:$0xc] =	wrdreg s15  }
0x6f: {  	[dreg:$0xa] =	wrdreg s26  }
0x70: {  	[dreg:$0x9] =	wrdreg s21  }
0x71: {  	[dreg:$0x7] =	wrdreg s22  }
0x72: {  	[dreg:$0x4] =	wrdreg s13  }
0x73: {  	[dreg:$0x3] =	wrdreg s14;
	s1 =	sadd.s32 $0xFFFFF500, s11  }
0x74: {  	s13 =	sadd.s32 $0xFFFFF580, s11;
	[dreg:$0x8] =	wrdreg s1  }
0x75: {  	s14 =	sadd.s32 $0xFFFFF600, s11;
	[dreg:$0x6] =	wrdreg s13  }
0x76: {  	s15 =	sadd.s32 $0xFFFFF400, s11;
	[dreg:$0x5] =	wrdreg s14  }
0x77: {  	s20 =	sadd.s32 $0xFFFFF480, s11;
	s10 =	sadd.s32 $0xFFFFF300, s11;
	[dreg:$0xd] =	wrdreg s15  }
0x78: {  	s8 =	sadd.s32 $0xFFFFF380, s11;
	s5 =	sand.u32 $0x1FFFFFF0, s5;
	[dreg:$0xb] =	wrdreg s20  }
0x79: {  	s14 =	smov.u32 s16;
	s1 =	smov.u32 s18;
	s18 =	sadd.s32 $0xFFFFF100, s11  }
0x7a: {  	(v2sf) =	vpush v1, $0xF;
	s15 =	sadd.s32 $0xFFFFF280, s11;
	s20 =	sadd.s32 s3, s6;
	s4 =	spop (v2sf)  }
0x7b: {  	s5 =	sadd.s32 s3, s5;
	s12 =	spop (v2sf);
	s4 =	sshll.u32 s4, $0x4  }
0x7c: {  	(v2sf) =	vpush v9, $0xF;
	s12 =	sshll.u32 s12, $0x4;
	s21 =	spop (v2sf);
	s4 =	sand.u32 $0x1FFFFFF0, s4  }
0x7d: {  	(v2sf) =	vpush v8, $0xF;
	s12 =	sand.u32 $0x1FFFFFF0, s12;
	s13 =	sshll.u32 s21, $0x4;
	s16 =	sadd.s32 s3, s4  }
0x7e: {  	s26 =	spop (v2sf);
	s4 =	smov.u32 s19;
	s21 =	sadd.s32 s3, s7  }
0x7f: {  	s22 =	sand.u32 $0x1FFFFFF0, s13;
	s30 =	sshll.u32 s26, $0x4;
	s26 =	sadd.s32 $0xFFFFF080, s11  }
0x80: {  	s13 =	sadd.s32 s3, s9;
	[dreg:$0xf] =	wrdreg s22;
	s28 =	spop (v2sf);
	(v2sf) =	vpush v7, $0xF  }
0x81: {  	s6 =	sand.u32 $0x1FFFFFF0, s30;
	s31 =	spop (v2sf);
	s19 =	sshll.u32 s28, $0x4  }
0x82: {  	s6 =	sadd.s32 s3, s6;
	s28 =	spop (v2sf);
	s2 =	sshll.u32 s31, $0x4  }
0x83: {  	s19 =	sand.u32 $0x1FFFFFF0, s19;
	s28 =	sshll.u32 s28, $0x4;
	s30 =	spop (v2sf)  }
0x84: {  	(v2sf) =	vpush v6, $0xF;
	s9 =	sand.u32 $0x1FFFFFF0, s2;
	s19 =	sadd.s32 s3, s19;
	s2 =	simm.s32 $0x0  }
0x85: {  	[tilespmem:s25], [sflag:$0x1] =	stream.linear.gather [hbm4b:s19+s2], $0x80, $0x38;
	[tilespmem:$0x11000] =	vst v63  }
0x86: {  	s22 =	spop (v2sf);
	s28 =	sand.u32 $0x1FFFFFF0, s28;
	s19 =	sshll.u32 s30, $0x4  }
0x87: {  	[tilespmem:s26], [sflag:$0x1] =	stream.linear.gather [hbm4b:s0+s2], $0x80, $0x38;
	[tilespmem:$0x11000] =	vst v63  }
0x88: {  	s7 =	sshll.u32 s22, $0x4;
	s19 =	sand.u32 $0x1FFFFFF0, s19;
	s31 =	spop (v2sf)  }
0x89: {  	s7 =	sand.u32 $0x1FFFFFF0, s7;
	s25 =	sshll.u32 s31, $0x4;
	s22 =	spop (v2sf)  }
0x8a: {  	(v2sf) =	vpush v5, $0xF;
	[tilespmem:s18], [sflag:$0x1] =	stream.linear.gather [hbm4b:s16+s2], $0x80, $0x38;
	[tilespmem:$0x11000] =	vst v63  }
0x8b: {  	s19 =	sadd.s32 s3, s19;
	s25 =	sand.u32 $0x1FFFFFF0, s25;
	s31 =	spop (v2sf)  }
0x8c: {  	s22 =	sshll.u32 s22, $0x4;
	(v2sf) =	vpush v4, $0xF;
	s30 =	sshll.u32 s31, $0x4;
	s31 =	spop (v2sf)  }
0x8d: {  	s26 =	sand.u32 $0x1FFFFFF0, s30;
	s31 =	sshll.u32 s31, $0x4;
	s30 =	sadd.s32 $0xFFFFF180, s11  }
0x8e: {  	[tilespmem:s30], [sflag:$0x1] =	stream.linear.gather [hbm4b:s20+s2], $0x80, $0x38;
	[tilespmem:$0x11000] =	vst v63  }
0x8f: {  	(v2sf) =	vpush v3, $0xF;
	s0 =	sand.u32 $0x1FFFFFF0, s31;
	s20 =	sadd.s32 $0xFFFFF200, s11;
	s31 =	spop (v2sf)  }
0x90: {  	[tilespmem:s20], [sflag:$0x1] =	stream.linear.gather [hbm4b:s21+s2], $0x80, $0x38;
	[tilespmem:$0x11000] =	vst v63  }
0x91: {  	s0 =	sadd.s32 s3, s0;
	s18 =	sshll.u32 s31, $0x4;
	s31 =	sadd.s32 s3, s28  }
0x92: {  	v1, _, _ =	vpop (xrf0);
	[tilespmem:s24], [sflag:$0x1] =	stream.linear.gather [hbm4b:s31+s2], $0x80, $0x38;
	[tilespmem:$0x11000] =	vst v63  }
0x93: {  	(v2sf) =	vpush v1, $0xF;
	s28 =	sand.u32 $0x1FFFFFF0, s29;
	s30 =	spop (v2sf);
	s16 =	sand.u32 $0x1FFFFFF0, s18  }
0x94: {  	[tilespmem:s23], [sflag:$0x1] =	stream.linear.gather [hbm4b:s19+s2], $0x80, $0x38;
	[tilespmem:$0x11000] =	vst v63  }
0x95: {  	(xrf0) =	vadd.scan.msk.s32 $0xffff, v2;
	s24 =	sadd.s32 s3, s28;
	s20 =	sshll.u32 s30, $0x4;
	s30 =	sand.u32 $0x1FFFFFF0, s22  }
0x96: {  	v2, _, _ =	vpop (xrf0);
	[tilespmem:s15], [sflag:$0x1] =	stream.linear.gather [hbm4b:s13+s2], $0x80, $0x38;
	[tilespmem:$0x11000] =	vst v63  }
0x97: {  	(v2sf) =	vpush v2, $0xF;
	s18 =	smov.u32 s1;
	s23 =	sand.u32 $0x1FFFFFF0, s20;
	s19 =	sadd.s32 s3, s30  }
0x98: {  	v9, _, _ =	vpop (xrf0);
	[tilespmem:s10], [sflag:$0x1] =	stream.linear.gather [hbm4b:s5+s2], $0x80, $0x38;
	[tilespmem:$0x11000] =	vst v63  }
0x99: {  	(v2sf) =	vpush v9, $0xF;
	s30 =	sadd.s32 s3, s12;
	s15 =	rddreg [dreg:$0xd];
	s31 =	spop (v2sf)  }
0x9a: {  	v8, _, _ =	vpop (xrf0);
	[tilespmem:s8], [sflag:$0x1] =	stream.linear.gather [hbm4b:s24+s2], $0x80, $0x38;
	[tilespmem:$0x11000] =	vst v63  }
0x9b: {  	s20 =	sadd.s32 s3, s26;
	(v2sf) =	vpush v8, $0xF;
	s22 =	spop (v2sf);
	s24 =	rddreg [dreg:$0xf]  }
0x9c: {  	s21 =	sshll.u32 s31, $0x4;
	s28 =	sshll.u32 s22, $0x4;
	s22 =	rddreg [dreg:$0xb]  }
0x9d: {  	[tilespmem:s15], [sflag:$0x1] =	stream.linear.gather [hbm4b:s19+s2], $0x80, $0x38;
	[tilespmem:$0x11000] =	vst v63  }
0x9e: {  	v10, _, _ =	vpop (xrf0);
	s31 =	spop (v2sf);
	s8 =	sand.u32 $0x1FFFFFF0, s28;
	s28 =	rddreg [dreg:$0x8]  }
0x9f: {  	(v2sf) =	vpush v10, $0xF;
	[tilespmem:s4], [sflag:$0x1] =	stream.linear.gather [hbm4b:s20+s2], $0x80, $0x38;
	[tilespmem:$0x11000] =	vst v63  }
0xa0: {  	s12 =	sshll.u32 s31, $0x4;
	s31 =	rddreg [dreg:$0xe];
	s4 =	sadd.s32 s3, s24  }
0xa1: {  	[tilespmem:s22], [sflag:$0x1] =	stream.linear.gather [hbm4b:s30+s2], $0x80, $0x38;
	[tilespmem:$0x11000] =	vst v63  }
0xa2: {  	s24 =	sadd.s32 s3, s9;
	s9 =	rddreg [dreg:$0xa];
	s19 =	spop (v2sf)  }
0xa3: {  	[tilespmem:s28], [sflag:$0x1] =	stream.linear.gather [hbm4b:s4+s2], $0x80, $0x38;
	[tilespmem:$0x11000] =	vst v63  }
0xa4: {  	s13 =	sadd.s32 s3, s16;
	s1 =	sshll.u32 s19, $0x4;
	s19 =	rddreg [dreg:$0xc]  }
0xa5: {  	[tilespmem:s31], [sflag:$0x1] =	stream.linear.gather [hbm4b:s0+s2], $0x80, $0x38;
	[tilespmem:$0x11000] =	vst v63  }
0xa6: {  	s10 =	sand.u32 $0x1FFFFFF0, s21;
	s22 =	rddreg [dreg:$0x6];
	s21 =	spop (v2sf)  }
0xa7: {  	[tilespmem:s19], [sflag:$0x1] =	stream.linear.gather [hbm4b:s13+s2], $0x80, $0x38;
	[tilespmem:$0x11000] =	vst v63  }
0xa8: {  	v11, _, _ =	vpop (xrf0);
	s26 =	sshll.u32 s21, $0x4;
	s30 =	spop (v2sf);
	s28 =	rddreg [dreg:$0x5]  }
0xa9: {  	(v2sf) =	vpush v11, $0xF;
	[tilespmem:s22], [sflag:$0x1] =	stream.linear.gather [hbm4b:s6+s2], $0x80, $0x38;
	[tilespmem:$0x11000] =	vst v63  }
0xaa: {  	v7, _, _ =	vpop (xrf0);
	s5 =	sand.u32 $0x1FFFFFF0, s26;
	s4 =	sshll.u32 s30, $0x4;
	s16 =	spop (v2sf)  }
0xab: {  	(v2sf) =	vpush v7, $0xF;
	[tilespmem:s28], [sflag:$0x1] =	stream.linear.gather [hbm4b:s24+s2], $0x80, $0x38;
	[tilespmem:$0x11000] =	vst v63  }
0xac: {  	s30 =	sadd.s32 s3, s7;
	(v2sf) =	vpush v0, $0xF;
	s20 =	sshll.u32 s16, $0x4;
	s16 =	sadd.s32 s3, s25;
	v1 =	vld [tilespmem:s17+$0xFFFFFF80]  }
0xad: {  	[tilespmem:s9], [sflag:$0x1] =	stream.linear.gather [hbm4b:s30+s2], $0x80, $0x38;
	[tilespmem:$0x11000] =	vst v63  }
0xae: {  	s6 =	sand.u32 $0x1FFFFFF0, s20;
	s20 =	rddreg [dreg:$0x9];
	s21 =	spop (v2sf)  }
0xaf: {  	[tilespmem:s20], [sflag:$0x1] =	stream.linear.gather [hbm4b:s16+s2], $0x80, $0x38;
	[tilespmem:$0x11000] =	vst v63  }
0xb0: {  	s26 =	sshll.u32 s21, $0x4;
	s21 =	sadd.s32 s3, s23;
	s23 =	rddreg [dreg:$0x4]  }
0xb1: {  	v0 =	vnsel vm0, $0x0, v1;
	[tilespmem:s23], [sflag:$0x1] =	stream.linear.gather [hbm4b:s21+s2], $0x80, $0x38;
	[tilespmem:$0x11000] =	vst v63  }
0xb2: {  	s15 =	sand.u32 $0x1FFFFFF0, s1;
	v2 =	vsel vm1, $0x0, v1;
	(xrf0) =	vadd.scan.msk.s32 $0xffff, v0  }
0xb3: {  	s25 =	sadd.s32 s3, s15;
	s24 =	sadd.s32 $0xFFFFF780, s11;
	(xrf0) =	vadd.scan.msk.s32 $0xffff, v2  }
0xb4: {  	v3 =	vsel vm2, $0x0, v1;
	[tilespmem:s24], [sflag:$0x1] =	stream.linear.gather [hbm4b:s25+s2], $0x80, $0x38;
	[tilespmem:$0x11000] =	vst v63  }
0xb5: {  	s13 =	sand.u32 $0x1FFFFFF0, s4;
	s15 =	rddreg [dreg:$0x7];
	v4 =	vsel vm3, $0x0, v1;
	(xrf0) =	vadd.scan.msk.s32 $0xffff, v3  }
0xb6: {  	s0 =	sand.u32 $0x1FFFFFF0, s26;
	s26 =	sadd.s32 s3, s13;
	s30 =	rddreg [dreg:$0x3];
	(xrf0) =	vadd.scan.msk.s32 $0xffff, v4  }
0xb7: {  	v5 =	vsel vm4, $0x0, v1;
	[tilespmem:s30], [sflag:$0x1] =	stream.linear.gather [hbm4b:s26+s2], $0x80, $0x38;
	[tilespmem:$0x11000] =	vst v63  }
0xb8: {  	s31 =	spop (v2sf);
	s28 =	sadd.s32 s3, s10;
	s16 =	sadd.s32 $0xFFFFFC00, s14;
	v6 =	vsel vm5, $0x0, v1;
	(xrf0) =	vadd.scan.msk.s32 $0xffff, v5  }
0xb9: {  	v7 =	vsel vm6, $0x0, v1;
	(xrf0) =	vadd.scan.msk.s32 $0xffff, v6;
	v4 =	vld [tilespmem:s15+$0x0];
	[tilespmem:s16], [sflag:$0x1] =	stream.linear.gather [hbm4b:s28+s2], $0x80, $0x38  }
0xba: {  	s8 =	sadd.s32 s3, s8;
	s19 =	spop (v2sf);
	v8 =	vsel vm7, $0x0, v1;
	v5, _, _ =	vpop (xrf0);
	(xrf0) =	vadd.scan.msk.s32 $0xffff, v7  }
0xbb: {  	s22 =	sshll.u32 s19, $0x4;
	s19 =	sadd.s32 $0xFFFFFC80, s14;
	s13 =	spop (v2sf);
	(v2sf) =	vpush v5, $0xF;
	v5, _, _ =	vpop (xrf0);
	(xrf0) =	vadd.scan.msk.s32 $0xffff, v8  }
0xbc: {  	v9 =	vsel vm9, $0x0, v1;
	v7 =	vsel vm8, $0x0, v1;
	[tilespmem:s19], [sflag:$0x1] =	stream.linear.gather [hbm4b:s8+s2], $0x80, $0x38;
	[tilespmem:$0x11000] =	vst v63  }
0xbd: {  	s12 =	sand.u32 $0x1FFFFFF0, s12;
	s4 =	sshll.u32 s31, $0x4;
	v10 =	vsel vm11, $0x0, v1;
	v11 =	vsel vm12, $0x0, v1;
	v12 =	vsel vm13, $0x0, v1;
	s21 =	smov.u32 s14;
	v6, _, _ =	vpop (xrf0);
	(xrf0) =	vadd.scan.msk.s32 $0xffff, v7  }
0xbe: {  	s31 =	sadd.s32 s3, s12;
	v0 =	vsel vm15, $0x0, v1;
	s23 =	sadd.s32 $0xFFFFFD00, s21;
	v2 =	vsel vm10, $0x0, v1;
	v3 =	vsel vm14, $0x0, v1;
	s7 =	sshll.u32 s13, $0x4;
	v1, _, _ =	vpop (xrf0);
	(xrf0) =	vadd.scan.msk.s32 $0xffff, v9  }
0xbf: {  	(v2sf) =	vpush v6, $0xF;
	[tilespmem:s23], [sflag:$0x1] =	stream.linear.gather [hbm4b:s31+s2], $0x80, $0x38;
	[tilespmem:$0x11000] =	vst v63  }
0xc0: {  	s20 =	sand.u32 $0x1FFFFFF0, s7;
	(v2sf) =	vpush v1, $0xF;
	v1, _, _ =	vpop (xrf0);
	(xrf0) =	vadd.scan.msk.s32 $0xffff, v2  }
0xc1: {  	s24 =	sadd.s32 $0xFFFFFD80, s21;
	s25 =	sadd.s32 s3, s20;
	(v2sf) =	vpush v1, $0xF;
	v1, _, _ =	vpop (xrf0);
	(xrf0) =	vadd.scan.msk.s32 $0xffff, v10  }
0xc2: {  	[tilespmem:s24], [sflag:$0x1] =	stream.linear.gather [hbm4b:s25+s2], $0x80, $0x38;
	[tilespmem:$0x11000] =	vst v63  }
0xc3: {  	v9, _, _ =	vpop (xrf0);
	(xrf0) =	vadd.scan.msk.s32 $0xffff, v11  }
0xc4: {  	s5 =	sadd.s32 s3, s5;
	s26 =	sadd.s32 $0xFFFFFE00, s21;
	(v2sf) =	vpush v1, $0xF;
	v1, _, _ =	vpop (xrf0);
	(xrf0) =	vadd.scan.msk.s32 $0xffff, v12  }
0xc5: {  	v6 =	vsel vm1, $0x0, v4;
	v2 =	vnsel vm0, $0x0, v4;
	[tilespmem:s26], [sflag:$0x1] =	stream.linear.gather [hbm4b:s5+s2], $0x80, $0x38;
	[tilespmem:$0x11000] =	vst v63  }
0xc6: {  	v7 =	vsel vm2, $0x0, v4;
	v8 =	vsel vm3, $0x0, v4;
	(v2sf) =	vpush v9, $0xF;
	v9, _, _ =	vpop (xrf0);
	(xrf0) =	vadd.scan.msk.s32 $0xffff, v2  }
0xc7: {  	s6 =	sadd.s32 s3, s6;
	s28 =	sadd.s32 $0xFFFFFE80, s21;
	v13 =	vsel vm6, $0x0, v4;
	v63 =	vsel vm7, $0x0, v4;
	v14 =	vsel vm8, $0x0, v4;
	v17, _, _ =	vpop (xrf0);
	(xrf0) =	vadd.scan.msk.s32 $0xffff, v6  }
0xc8: {  	v15 =	vsel vm9, $0x0, v4;
	v16 =	vsel vm10, $0x0, v4;
	v18 =	vsel vm11, $0x0, v4;
	[tilespmem:s28], [sflag:$0x1] =	stream.linear.gather [hbm4b:s6+s2], $0x80, $0x38;
	[tilespmem:$0x11000] =	vst v63  }
0xc9: {  	v19 =	vsel vm12, $0x0, v4;
	v20 =	vsel vm13, $0x0, v4;
	v21 =	vsel vm14, $0x0, v4;
	v6, _, _ =	vpop (xrf0);
	(xrf0) =	vadd.scan.msk.s32 $0xffff, v7  }
0xca: {  	s18 =	sadd.s32 $0x2, s18;
	s0 =	sadd.s32 s3, s0;
	s31 =	sadd.s32 $0xFFFFFF00, s21;
	v10 =	vsel vm4, $0x0, v4;
	v11 =	vsel vm5, $0x0, v4;
	v2 =	vsel vm15, $0x0, v4;
	v4, _, _ =	vpop (xrf0);
	(xrf0) =	vadd.scan.msk.s32 $0xffff, v8  }
0xcb: {  	[tilespmem:s31], [sflag:$0x1] =	stream.linear.gather [hbm4b:s0+s2], $0x80, $0x38;
	[tilespmem:$0x11000] =	vst v63  }
0xcc: {  	p0 =	slt.u32 s18, $0x1E;
	s1 =	sand.u32 $0x1FFFFFF0, s4;
	(v2sf) =	vpush v5, $0xF;
	v5, _, _ =	vpop (xrf0);
	(xrf0) =	vadd.scan.msk.s32 $0xffff, v10  }
0xcd: {  	s1 =	sadd.s32 s3, s1;
	s4 =	sand.u32 $0x1FFFFFF0, s22;
	s30 =	sadd.s32 $0xFFFFFF80, s21;
	v10, _, _ =	vpop (xrf0);
	(xrf0) =	vadd.scan.msk.s32 $0xffff, v11  }
0xce: {  	(v2sf) =	vpush v9, $0xF;
	[tilespmem:s30], [sflag:$0x1] =	stream.linear.gather [hbm4b:s1+s2], $0x80, $0x38;
	[tilespmem:$0x11000] =	vst v63  }
0xcf: {  	s22 =	smov.u32 s17;
	s17 =	sadd.s32 $0x100, s17;
	s15 =	sadd.s32 $0xFFFFFB00, s11;
	(v2sf) =	vpush v17, $0xF;
	v7, _, _ =	vpop (xrf0);
	(xrf0) =	vadd.scan.msk.s32 $0xffff, v13  }
0xd0: {  	s16 =	smov.u32 s11;
	s13 =	sadd.s32 $0xFFFFFB80, s11;
	s8 =	sadd.s32 s3, s4;
	(v2sf) =	vpush v6, $0xF;
	v6, _, _ =	vpop (xrf0);
	(xrf0) =	vadd.scan.msk.s32 $0xffff, v63  }
0xd1: {  	[tilespmem:s21], [sflag:$0x1] =	stream.linear.gather [hbm4b:s8+s2], $0x80, $0x38;
	[tilespmem:$0x11000] =	vst v63  }
0xd2: {  	s19 =	sadd.s32 $0xFFFFFA00, s11;
	s20 =	sadd.s32 $0xFFFFFA80, s11;
	s23 =	sadd.s32 $0xFFFFF980, s11;
	v11, _, _ =	vpop (xrf0);
	(xrf0) =	vadd.scan.msk.s32 $0xffff, v14  }
0xd3: {  	s25 =	sadd.s32 $0xFFFFF880, s11;
	s24 =	sadd.s32 $0xFFFFF900, s11;
	s9 =	spop (v2sf);
	(v2sf) =	vpush v7, $0xF;
	v9, _, _ =	vpop (xrf0);
	(xrf0) =	vadd.scan.msk.s32 $0xffff, v15  }
0xd4: {  	s11 =	sadd.s32 $0x1000, s11;
	(v2sf) =	vpush v4, $0xF;
	s10 =	sshll.u32 s9, $0x4;
	s12 =	spop (v2sf);
	v8, _, _ =	vpop (xrf0);
	(xrf0) =	vadd.scan.msk.s32 $0xffff, v16  }
0xd5: {  	(v2sf) =	vpush v6, $0xF;
	s0 =	sand.u32 $0x1FFFFFF0, s10;
	s1 =	sshll.u32 s12, $0x4;
	s14 =	spop (v2sf);
	(xrf0) =	vadd.scan.msk.s32 $0xffff, v3;
	v7, _, _ =	vpop (xrf0)  }
.Ltmp0:
0xd6: {  	s0 =	sadd.s32 s3, s0;
	s26 =	spop (v2sf);
	(v2sf) =	vpush v11, $0xF;
	v6, _, _ =	vpop (xrf0);
	(xrf0) =	vadd.scan.msk.s32 $0xffff, v18;
	(pc) =	sbr.rel @p0 .LBB2_2-.Ltmp0, $4  }
0xd7: {  	s6 =	sand.u32 $0x1FFFFFF0, s1;
	s21 =	sshll.u32 s14, $0x4;
	s14 =	sadd.s32 $0xFFFFF800, s11;
	(v2sf) =	vpush v5, $0xF;
	(xrf0) =	vadd.scan.msk.s32 $0xffff, v0;
	v5, _, _ =	vpop (xrf0)  }
0xd8: {  	s7 =	sand.u32 $0x1FFFFFF0, s21;
	s28 =	sshll.u32 s26, $0x4;
	s30 =	spop (v2sf);
	v4, _, _ =	vpop (xrf0);
	(xrf0) =	vadd.scan.msk.s32 $0xffff, v19  }
0xd9: {  	s21 =	sadd.s32 $0xFFFFF700, s11;
	s26 =	sadd.s32 $0xFFFFF680, s11;
	s31 =	spop (v2sf);
	v3, _, _ =	vpop (xrf0);
	(xrf0) =	vadd.scan.msk.s32 $0xffff, v20  }
0xda: {  	s9 =	sand.u32 $0x1FFFFFF0, s28;
	s5 =	sshll.u32 s30, $0x4;
	(v2sf) =	vpush v10, $0xF;
	s29 =	sshll.u32 s31, $0x4;
	v0, _, _ =	vpop (xrf0);
	(xrf0) =	vadd.scan.msk.s32 $0xffff, v21  }
0xdb: {  	_ =	sdelay $0x1  }
0xdc: {  	s8 =	spop (v2sf);
	s2 =	simm.s32 $0x0;
	s31 =	sadd.s32 $0xFFFFF080, s11  }
0xdd: {  	[tilespmem:s31], [sflag:$0x1] =	stream.linear.gather [hbm4b:s0+s2], $0x80, $0x38;
	[tilespmem:$0x11000] =	vst v63  }
0xde: {  	s10 =	spop (v2sf)  }
0xdf: {  	s4 =	spop (v2sf)  }
0xe0: {  	s1 =	spop (v2sf)  }
0xe1: {  	s12 =	spop (v2sf)  }
0xe2: {  	s12 =	sshll.u32 s12, $0x4  }
0xe3: {  	s8 =	sshll.u32 s8, $0x4;
	s12 =	sand.u32 $0x1FFFFFF0, s12  }
0xe4: {  	s0 =	sand.u32 $0x1FFFFFF0, s8;
	s12 =	sadd.s32 s3, s12  }
0xe5: {  	[tilespmem:s25], [sflag:$0x1] =	stream.linear.gather [hbm4b:s12+s2], $0x80, $0x38;
	[tilespmem:$0x11000] =	vst v63  }
0xe6: {  	s0 =	sadd.s32 s3, s0;
	s12 =	sadd.s32 $0xFFFFF100, s11  }
0xe7: {  	[tilespmem:s12], [sflag:$0x1] =	stream.linear.gather [hbm4b:s0+s2], $0x80, $0x38;
	[tilespmem:$0x11000] =	vst v63  }
0xe8: {  	s0 =	spop (v2sf)  }
0xe9: {  	s17 =	sadd.s32 s3, s6;
	s18 =	sadd.s32 $0xFFFFF180, s11;
	s30 =	spop (v2sf)  }
0xea: {  	(v2sf) =	vpush v1, $0xF;
	[tilespmem:s18], [sflag:$0x1] =	stream.linear.gather [hbm4b:s17+s2], $0x80, $0x38;
	[tilespmem:$0x11000] =	vst v63  }
0xeb: {  	s6 =	sshll.u32 s30, $0x4  }
0xec: {  	s28 =	sadd.s32 $0xFFFFF200, s11;
	s25 =	sadd.s32 s3, s7;
	s6 =	sand.u32 $0x1FFFFFF0, s6  }
0xed: {  	(v2sf) =	vpush v9, $0xF;
	[tilespmem:s28], [sflag:$0x1] =	stream.linear.gather [hbm4b:s25+s2], $0x80, $0x38;
	[tilespmem:$0x11000] =	vst v63  }
0xee: {  	s31 =	spop (v2sf);
	s6 =	sadd.s32 s3, s6  }
0xef: {  	[tilespmem:s24], [sflag:$0x1] =	stream.linear.gather [hbm4b:s6+s2], $0x80, $0x38;
	[tilespmem:$0x11000] =	vst v63  }
0xf0: {  	s5 =	sand.u32 $0x1FFFFFF0, s5;
	s6 =	sshll.u32 s31, $0x4  }
0xf1: {  	s8 =	sadd.s32 s3, s9;
	s7 =	sadd.s32 $0xFFFFF280, s11;
	s6 =	sand.u32 $0x1FFFFFF0, s6  }
0xf2: {  	[tilespmem:s7], [sflag:$0x1] =	stream.linear.gather [hbm4b:s8+s2], $0x80, $0x38;
	[tilespmem:$0x11000] =	vst v63  }
0xf3: {  	s5 =	sadd.s32 s3, s5;
	s6 =	sadd.s32 s3, s6  }
0xf4: {  	[tilespmem:s23], [sflag:$0x1] =	stream.linear.gather [hbm4b:s6+s2], $0x80, $0x38;
	[tilespmem:$0x11000] =	vst v63  }
0xf5: {  	s9 =	sadd.s32 $0xFFFFF300, s11;
	s17 =	sand.u32 $0x1FFFFFF0, s29;
	s12 =	spop (v2sf)  }
0xf6: {  	(v2sf) =	vpush v8, $0xF;
	[tilespmem:s9], [sflag:$0x1] =	stream.linear.gather [hbm4b:s5+s2], $0x80, $0x38;
	[tilespmem:$0x11000] =	vst v63  }
0xf7: {  	s18 =	sadd.s32 $0xFFFFF380, s11;
	s8 =	sadd.s32 s3, s17;
	s23 =	spop (v2sf)  }
0xf8: {  	[tilespmem:s18], [sflag:$0x1] =	stream.linear.gather [hbm4b:s8+s2], $0x80, $0x38;
	[tilespmem:$0x11000] =	vst v63  }
0xf9: {  	s24 =	spop (v2sf)  }
0xfa: {  	s5 =	sshll.u32 s24, $0x4  }
0xfb: {  	(v2sf) =	vpush v7, $0xF;
	s5 =	sand.u32 $0x1FFFFFF0, s5  }
0xfc: {  	s25 =	sadd.s32 $0xFFFFF400, s11;
	s28 =	spop (v2sf);
	s5 =	sadd.s32 s3, s5  }
0xfd: {  	[tilespmem:s25], [sflag:$0x1] =	stream.linear.gather [hbm4b:s5+s2], $0x80, $0x38;
	[tilespmem:$0x11000] =	vst v63  }
0xfe: {  	s5 =	sshll.u32 s28, $0x4  }
0xff: {  	s5 =	sand.u32 $0x1FFFFFF0, s5  }
0x100: {  	s4 =	sshll.u32 s4, $0x4;
	s29 =	sshll.u32 s10, $0x4;
	s5 =	sadd.s32 s3, s5  }
0x101: {  	[tilespmem:s19], [sflag:$0x1] =	stream.linear.gather [hbm4b:s5+s2], $0x80, $0x38;
	[tilespmem:$0x11000] =	vst v63  }
0x102: {  	s4 =	sand.u32 $0x1FFFFFF0, s4;
	(v2sf) =	vpush v6, $0xF;
	s5 =	sand.u32 $0x1FFFFFF0, s29  }
0x103: {  	s1 =	sshll.u32 s1, $0x4;
	s30 =	sadd.s32 $0xFFFFF480, s11;
	s5 =	sadd.s32 s3, s5  }
0x104: {  	[tilespmem:s30], [sflag:$0x1] =	stream.linear.gather [hbm4b:s5+s2], $0x80, $0x38;
	[tilespmem:$0x11000] =	vst v63  }
0x105: {  	s4 =	sadd.s32 s3, s4;
	s31 =	sadd.s32 $0xFFFFF500, s11;
	(v2sf) =	vpush v5, $0xF;
	s5 =	spop (v2sf)  }
0x106: {  	[tilespmem:s31], [sflag:$0x1] =	stream.linear.gather [hbm4b:s4+s2], $0x80, $0x38;
	[tilespmem:$0x11000] =	vst v63  }
0x107: {  	s1 =	sand.u32 $0x1FFFFFF0, s1;
	(v2sf) =	vpush v4, $0xF;
	s4 =	sshll.u32 s5, $0x4  }
0x108: {  	s1 =	sadd.s32 s3, s1;
	s9 =	sadd.s32 $0xFFFFF580, s11;
	s4 =	sand.u32 $0x1FFFFFF0, s4  }
0x109: {  	v25, _, _ =	vpop (xrf0);
	(v2sf) =	vpush v3, $0xF;
	[tilespmem:s9], [sflag:$0x1] =	stream.linear.gather [hbm4b:s1+s2], $0x80, $0x38;
	[tilespmem:$0x11000] =	vst v63  }
0x10a: {  	v26, _, _ =	vpop (xrf0);
	s0 =	sshll.u32 s0, $0x4;
	s8 =	spop (v2sf);
	(v2sf) =	vpush v25, $0xF;
	s4 =	sadd.s32 s3, s4  }
0x10b: {  	v27, _, _ =	vpop (xrf0);
	(v2sf) =	vpush v26, $0xF;
	[tilespmem:s20], [sflag:$0x1] =	stream.linear.gather [hbm4b:s4+s2], $0x80, $0x38;
	[tilespmem:$0x11000] =	vst v63  }
0x10c: {  	s0 =	sand.u32 $0x1FFFFFF0, s0;
	s10 =	sadd.s32 $0xFFFFF600, s11;
	(v2sf) =	vpush v27, $0xF;
	s4 =	sshll.u32 s8, $0x4  }
0x10d: {  	s0 =	sadd.s32 s3, s0;
	s12 =	sshll.u32 s12, $0x4;
	s4 =	sand.u32 $0x1FFFFFF0, s4  }
0x10e: {  	[tilespmem:s10], [sflag:$0x1] =	stream.linear.gather [hbm4b:s0+s2], $0x80, $0x38;
	[tilespmem:$0x11000] =	vst v63  }
0x10f: {  	s0 =	sand.u32 $0x1FFFFFF0, s12;
	s4 =	sadd.s32 s3, s4  }
0x110: {  	[tilespmem:s15], [sflag:$0x1] =	stream.linear.gather [hbm4b:s4+s2], $0x80, $0x38;
	[tilespmem:$0x11000] =	vst v63  }
0x111: {  	s18 =	spop (v2sf);
	s0 =	sadd.s32 s3, s0;
	s15 =	sshll.u32 s23, $0x4  }
0x112: {  	[tilespmem:s26], [sflag:$0x1] =	stream.linear.gather [hbm4b:s0+s2], $0x80, $0x38;
	[tilespmem:$0x11000] =	vst v63  }
0x113: {  	s1 =	sshll.u32 s18, $0x4;
	s17 =	sand.u32 $0x1FFFFFF0, s15  }
0x114: {  	(xrf0) =	vadd.scan.msk.s32 $0xffff, v2;
	s19 =	spop (v2sf);
	s20 =	sand.u32 $0x1FFFFFF0, s1;
	s0 =	sadd.s32 s3, s17  }
0x115: {  	[tilespmem:s21], [sflag:$0x1] =	stream.linear.gather [hbm4b:s0+s2], $0x80, $0x38;
	[tilespmem:$0x11000] =	vst v63  }
0x116: {  	v28, _, _ =	vpop (xrf0);
	s21 =	spop (v2sf);
	s0 =	sadd.s32 s3, s20  }
0x117: {  	(v2sf) =	vpush v28, $0xF;
	[tilespmem:s13], [sflag:$0x1] =	stream.linear.gather [hbm4b:s0+s2], $0x80, $0x38;
	[tilespmem:$0x11000] =	vst v63  }
0x118: {  	v29, _, _ =	vpop (xrf0);
	s23 =	spop (v2sf)  }
0x119: {  	v30, _, _ =	vpop (xrf0);
	(v2sf) =	vpush v29, $0xF;
	s24 =	spop (v2sf)  }
0x11a: {  	v31, _, _ =	vpop (xrf0);
	(v2sf) =	vpush v30, $0xF;
	s0 =	sshll.u32 s24, $0x4;
	s26 =	spop (v2sf)  }
0x11b: {  	(v2sf) =	vpush v31, $0xF;
	s0 =	sand.u32 $0x1FFFFFF0, s0;
	s28 =	spop (v2sf)  }
0x11c: {  	s25 =	sadd.s32 $0xFFFFF780, s11;
	(v2sf) =	vpush v0, $0xF;
	s0 =	sadd.s32 s3, s0;
	s6 =	sshll.u32 s28, $0x4  }
0x11d: {  	[tilespmem:s25], [sflag:$0x1] =	stream.linear.gather [hbm4b:s0+s2], $0x80, $0x38;
	[tilespmem:$0x11000] =	vst v63  }
0x11e: {  	s4 =	sshll.u32 s19, $0x4;
	s6 =	sand.u32 $0x1FFFFFF0, s6  }
0x11f: {  	s4 =	sand.u32 $0x1FFFFFF0, s4;
	s1 =	sshll.u32 s21, $0x4;
	s6 =	sadd.s32 s3, s6  }
0x120: {  	[tilespmem:s14], [sflag:$0x1] =	stream.linear.gather [hbm4b:s6+s2], $0x80, $0x38;
	[tilespmem:$0x11000] =	vst v63  }
0x121: {  	s31 =	sadd.s32 $0xFFFFFC00, s16;
	s4 =	sadd.s32 s3, s4;
	s1 =	sand.u32 $0x1FFFFFF0, s1  }
0x122: {  	[tilespmem:s31], [sflag:$0x1] =	stream.linear.gather [hbm4b:s4+s2], $0x80, $0x38;
	v32 =	vld [tilespmem:s22+$0x0]  }
0x123: {  	s10 =	sadd.s32 $0xFFFFFC80, s16;
	s1 =	sadd.s32 s3, s1;
	s5 =	sshll.u32 s23, $0x4  }
0x124: {  	[tilespmem:s10], [sflag:$0x1] =	stream.linear.gather [hbm4b:s1+s2], $0x80, $0x38;
	[tilespmem:$0x11000] =	vst v63  }
0x125: {  	s5 =	sand.u32 $0x1FFFFFF0, s5  }
0x126: {  	s13 =	sadd.s32 $0xFFFFFD00, s16;
	s5 =	sadd.s32 s3, s5;
	s29 =	spop (v2sf)  }
0x127: {  	[tilespmem:s13], [sflag:$0x1] =	stream.linear.gather [hbm4b:s5+s2], $0x80, $0x38;
	v33 =	vnsel vm0, $0x0, v32;
	[tilespmem:$0x11000] =	vst v63  }
0x128: {  	s30 =	spop (v2sf);
	v34 =	vsel vm1, $0x0, v32;
	(xrf0) =	vadd.scan.msk.s32 $0xffff, v33  }
0x129: {  	s9 =	spop (v2sf);
	(xrf0) =	vadd.scan.msk.s32 $0xffff, v34  }
0x12a: {  	v35 =	vsel vm2, $0x0, v32;
	s12 =	spop (v2sf)  }
0x12b: {  	v36 =	vsel vm3, $0x0, v32;
	s14 =	spop (v2sf);
	(xrf0) =	vadd.scan.msk.s32 $0xffff, v35  }
0x12c: {  	s5 =	sshll.u32 s14, $0x4;
	(xrf0) =	vadd.scan.msk.s32 $0xffff, v36  }
0x12d: {  	s0 =	sshll.u32 s26, $0x4;
	s5 =	sand.u32 $0x1FFFFFF0, s5  }
0x12e: {  	s15 =	sadd.s32 $0xFFFFFD80, s16;
	s0 =	sand.u32 $0x1FFFFFF0, s0;
	s5 =	sadd.s32 s3, s5;
	v37, _, _ =	vpop (xrf0)  }
0x12f: {  	v38 =	vsel vm4, $0x0, v32;
	[tilespmem:s15], [sflag:$0x1] =	stream.linear.gather [hbm4b:s5+s2], $0x80, $0x38;
	(v2sf) =	vpush v37, $0xF;
	v39, _, _ =	vpop (xrf0);
	[tilespmem:$0x11000] =	vst v63  }
0x130: {  	s19 =	sadd.s32 $0xFFFFFE00, s16;
	s17 =	sshll.u32 s29, $0x4;
	s0 =	sadd.s32 s3, s0;
	(xrf0) =	vadd.scan.msk.s32 $0xffff, v38;
	(v2sf) =	vpush v39, $0xF  }
0x131: {  	v40 =	vsel vm5, $0x0, v32;
	[tilespmem:s19], [sflag:$0x1] =	stream.linear.gather [hbm4b:s0+s2], $0x80, $0x38;
	v41, _, _ =	vpop (xrf0);
	[tilespmem:$0x11000] =	vst v63  }
0x132: {  	v42 =	vsel vm6, $0x0, v32;
	s5 =	sand.u32 $0x1FFFFFF0, s17;
	(xrf0) =	vadd.scan.msk.s32 $0xffff, v40;
	v43, _, _ =	vpop (xrf0);
	(v2sf) =	vpush v41, $0xF  }
0x133: {  	s21 =	sadd.s32 $0xFFFFFE80, s16;
	s18 =	sshll.u32 s30, $0x4;
	s5 =	sadd.s32 s3, s5;
	(xrf0) =	vadd.scan.msk.s32 $0xffff, v42;
	(v2sf) =	vpush v43, $0xF  }
0x134: {  	v44 =	vsel vm7, $0x0, v32;
	[tilespmem:s21], [sflag:$0x1] =	stream.linear.gather [hbm4b:s5+s2], $0x80, $0x38;
	[tilespmem:$0x11000] =	vst v63  }
0x135: {  	s20 =	sand.u32 $0x1FFFFFF0, s18;
	s4 =	sshll.u32 s9, $0x4;
	v45 =	vsel vm8, $0x0, v32;
	(xrf0) =	vadd.scan.msk.s32 $0xffff, v44  }
0x136: {  	s22 =	sadd.s32 $0xFFFFFF00, s16;
	s23 =	sand.u32 $0x1FFFFFF0, s4;
	s0 =	sadd.s32 s3, s20;
	(xrf0) =	vadd.scan.msk.s32 $0xffff, v45;
	v46, _, _ =	vpop (xrf0)  }
0x137: {  	v47 =	vsel vm9, $0x0, v32;
	[tilespmem:s22], [sflag:$0x1] =	stream.linear.gather [hbm4b:s0+s2], $0x80, $0x38;
	(v2sf) =	vpush v46, $0xF;
	[tilespmem:$0x11000] =	vst v63  }
0x138: {  	s24 =	sadd.s32 $0xFFFFFF80, s16;
	s1 =	sshll.u32 s12, $0x4;
	s0 =	sadd.s32 s3, s23;
	(xrf0) =	vadd.scan.msk.s32 $0xffff, v47;
	v48, _, _ =	vpop (xrf0)  }
0x139: {  	v49 =	vsel vm10, $0x0, v32;
	[tilespmem:s24], [sflag:$0x1] =	stream.linear.gather [hbm4b:s0+s2], $0x80, $0x38;
	(v2sf) =	vpush v48, $0xF;
	v51, _, _ =	vpop (xrf0);
	[tilespmem:$0x11000] =	vst v63  }
0x13a: {  	v50 =	vsel vm11, $0x0, v32;
	s25 =	sand.u32 $0x1FFFFFF0, s1;
	(xrf0) =	vadd.scan.msk.s32 $0xffff, v49;
	(v2sf) =	vpush v51, $0xF  }
0x13b: {  	s0 =	sadd.s32 s3, s25;
	(xrf0) =	vadd.scan.msk.s32 $0xffff, v50;
	v53, _, _ =	vpop (xrf0)  }
0x13c: {  	v52 =	vsel vm12, $0x0, v32;
	[tilespmem:s16], [sflag:$0x1] =	stream.linear.gather [hbm4b:s0+s2], $0x80, $0x38;
	(v2sf) =	vpush v53, $0xF;
	[tilespmem:$0x11000] =	vst v63  }
0x13d: {  	s8 =	sadd.s32 $0xFFFFF880, s11;
	s31 =	sadd.s32 $0xFFFFFB80, s11;
	s28 =	sadd.s32 $0xFFFFFA00, s11;
	(xrf0) =	vadd.scan.msk.s32 $0xffff, v52  }
0x13e: {  	s13 =	sadd.s32 $0xFFFFF980, s11;
	s29 =	sadd.s32 $0xFFFFFB00, s11;
	v54 =	vsel vm13, $0x0, v32;
	v55, _, _ =	vpop (xrf0);
	s26 =	spop (v2sf)  }
0x13f: {  	s9 =	sadd.s32 $0xFFFFF900, s11;
	(xrf0) =	vadd.scan.msk.s32 $0xffff, v54;
	(v2sf) =	vpush v55, $0xF;
	v57, _, _ =	vpop (xrf0);
	s30 =	sshll.u32 s26, $0x4;
	s7 =	spop (v2sf)  }
0x140: {  	v56 =	vsel vm14, $0x0, v32;
	s17 =	sadd.s32 $0xFFFFFA80, s11;
	v58, _, _ =	vpop (xrf0);
	s5 =	sand.u32 $0x1FFFFFF0, s30;
	s6 =	sshll.u32 s7, $0x4  }
0x141: {  	v0 =	vsel vm15, $0x0, v32;
	(xrf0) =	vadd.scan.msk.s32 $0xffff, v56;
	v59, _, _ =	vpop (xrf0);
	(v2sf) =	vpush v57, $0xF;
	s10 =	spop (v2sf);
	s5 =	sadd.s32 s3, s5;
	s6 =	sand.u32 $0x1FFFFFF0, s6  }
0x142: {  	(xrf0) =	vadd.scan.msk.s32 $0xffff, v0;
	(v2sf) =	vpush v59, $0xF;
	s7 =	sshll.u32 s10, $0x4;
	s12 =	spop (v2sf);
	s10 =	sadd.s32 $0xFFFFFC00, s11  }
0x143: {  	v60, _, _ =	vpop (xrf0);
	[tilespmem:s8], [sflag:$0x1] =	stream.linear.gather [hbm4b:s5+s2], $0x80, $0x38;
	[tilespmem:$0x11000] =	vst v63  }
0x144: {  	(v2sf) =	vpush v60, $0xF;
	s6 =	sadd.s32 s3, s6;
	s14 =	sand.u32 $0x1FFFFFF0, s7;
	s15 =	sshll.u32 s12, $0x4  }
0x145: {  	v61, _, _ =	vpop (xrf0);
	[tilespmem:s9], [sflag:$0x1] =	stream.linear.gather [hbm4b:s6+s2], $0x80, $0x38;
	[tilespmem:$0x11000] =	vst v63  }
0x146: {  	(v2sf) =	vpush v61, $0xF;
	s7 =	sand.u32 $0x1FFFFFF0, s15;
	s6 =	sadd.s32 s3, s14;
	s16 =	spop (v2sf)  }
0x147: {  	v62, _, _ =	vpop (xrf0);
	[tilespmem:s13], [sflag:$0x1] =	stream.linear.gather [hbm4b:s6+s2], $0x80, $0x38;
	[tilespmem:$0x11000] =	vst v63  }
0x148: {  	s7 =	sadd.s32 s3, s7;
	(v2sf) =	vpush v62, $0xF;
	s18 =	spop (v2sf);
	s19 =	sshll.u32 s16, $0x4  }
0x149: {  	v63, _, _ =	vpop (xrf0);
	s13 =	sadd.s32 $0xFFFFFC80, s11;
	s6 =	sshll.u32 s18, $0x4;
	s20 =	spop (v2sf)  }
0x14a: {  	(v2sf) =	vpush v63, $0xF;
	[tilespmem:s28], [sflag:$0x1] =	stream.linear.gather [hbm4b:s7+s2], $0x80, $0x38;
	[tilespmem:$0x11000] =	vst v63  }
0x14b: {  	s4 =	sand.u32 $0x1FFFFFF0, s19;
	(v2sf) =	vpush v58, $0xF;
	s6 =	sand.u32 $0x1FFFFFF0, s6;
	s21 =	spop (v2sf)  }
0x14c: {  	s7 =	sshll.u32 s20, $0x4;
	s4 =	sadd.s32 s3, s4;
	s8 =	sshll.u32 s21, $0x4  }
0x14d: {  	[tilespmem:s17], [sflag:$0x1] =	stream.linear.gather [hbm4b:s4+s2], $0x80, $0x38;
	[tilespmem:$0x11000] =	vst v63  }
0x14e: {  	s22 =	sand.u32 $0x1FFFFFF0, s7;
	s23 =	spop (v2sf);
	s6 =	sadd.s32 s3, s6  }
0x14f: {  	[tilespmem:s29], [sflag:$0x1] =	stream.linear.gather [hbm4b:s6+s2], $0x80, $0x38;
	[tilespmem:$0x11000] =	vst v63  }
0x150: {  	s24 =	sand.u32 $0x1FFFFFF0, s8;
	s5 =	sshll.u32 s23, $0x4;
	s25 =	spop (v2sf)  }
0x151: {  	s4 =	sadd.s32 s3, s22;
	s26 =	sand.u32 $0x1FFFFFF0, s5;
	s29 =	spop (v2sf)  }
0x152: {  	[tilespmem:s31], [sflag:$0x1] =	stream.linear.gather [hbm4b:s4+s2], $0x80, $0x38;
	[tilespmem:$0x11000] =	vst v63  }
0x153: {  	s9 =	sadd.s32 s3, s24;
	s28 =	sshll.u32 s25, $0x4;
	s30 =	spop (v2sf)  }
0x154: {  	[tilespmem:s10], [sflag:$0x1] =	stream.linear.gather [hbm4b:s9+s2], $0x80, $0x38;
	[tilespmem:$0x11000] =	vst v63  }
0x155: {  	s1 =	sadd.s32 s3, s26;
	s5 =	sand.u32 $0x1FFFFFF0, s28;
	s31 =	spop (v2sf)  }
0x156: {  	[tilespmem:s13], [sflag:$0x1] =	stream.linear.gather [hbm4b:s1+s2], $0x80, $0x38;
	[tilespmem:$0x11000] =	vst v63  }
0x157: {  	s15 =	sadd.s32 $0xFFFFFD00, s11;
	s5 =	sadd.s32 s3, s5;
	s12 =	spop (v2sf)  }
0x158: {  	[tilespmem:s15], [sflag:$0x1] =	stream.linear.gather [hbm4b:s5+s2], $0x80, $0x38;
	[tilespmem:$0x11000] =	vst v63  }
0x159: {  	s14 =	spop (v2sf)  }
0x15a: {  	s16 =	spop (v2sf)  }
0x15b: {  	s5 =	sshll.u32 s16, $0x4  }
0x15c: {  	s5 =	sand.u32 $0x1FFFFFF0, s5  }
0x15d: {  	s17 =	sadd.s32 $0xFFFFFD80, s11;
	s18 =	sshll.u32 s29, $0x4;
	s5 =	sadd.s32 s3, s5  }
0x15e: {  	[tilespmem:s17], [sflag:$0x1] =	stream.linear.gather [hbm4b:s5+s2], $0x80, $0x38;
	[tilespmem:$0x11000] =	vst v63  }
0x15f: {  	s5 =	sand.u32 $0x1FFFFFF0, s18  }
0x160: {  	s19 =	sadd.s32 $0xFFFFFE00, s11;
	s20 =	sshll.u32 s30, $0x4;
	s5 =	sadd.s32 s3, s5  }
0x161: {  	[tilespmem:s19], [sflag:$0x1] =	stream.linear.gather [hbm4b:s5+s2], $0x80, $0x38;
	[tilespmem:$0x11000] =	vst v63  }
0x162: {  	s0 =	sshll.u32 s31, $0x4;
	s5 =	sand.u32 $0x1FFFFFF0, s20  }
0x163: {  	s21 =	sadd.s32 $0xFFFFFE80, s11;
	s0 =	sand.u32 $0x1FFFFFF0, s0;
	s5 =	sadd.s32 s3, s5  }
0x164: {  	[tilespmem:s21], [sflag:$0x1] =	stream.linear.gather [hbm4b:s5+s2], $0x80, $0x38;
	[tilespmem:$0x11000] =	vst v63  }
0x165: {  	s22 =	sadd.s32 $0xFFFFFF00, s11;
	s0 =	sadd.s32 s3, s0;
	s23 =	sshll.u32 s12, $0x4  }
0x166: {  	[tilespmem:s22], [sflag:$0x1] =	stream.linear.gather [hbm4b:s0+s2], $0x80, $0x38;
	[tilespmem:$0x11000] =	vst v63  }
0x167: {  	s0 =	sand.u32 $0x1FFFFFF0, s23  }
0x168: {  	s24 =	sadd.s32 $0xFFFFFF80, s11;
	s25 =	sshll.u32 s14, $0x4;
	s0 =	sadd.s32 s3, s0  }
0x169: {  	[tilespmem:s24], [sflag:$0x1] =	stream.linear.gather [hbm4b:s0+s2], $0x80, $0x38;
	[tilespmem:$0x11000] =	vst v63  }
0x16a: {  	s0 =	sand.u32 $0x1FFFFFF0, s25  }
0x16b: {  	s26 =	simm.s32 $0x1;
	s0 =	sadd.s32 s3, s0  }
0x16c: {  	[tilespmem:s11], [sflag:$0x1] =	stream.linear.gather [hbm4b:s0+s2], $0x80, $0x38;
	[tilespmem:$0x11000] =	vst v63  }
0x16d: {  	_ =	swait.ge [sflag:s26], $0x10000  }
0x16e: {  	s29 =	simm.s32 $0x1000;
	[sflag:s26] =	ssyncset.done $0x0  }
0x16f: {  	s1 =	simm.s32 $0x2;
	s28 =	rddreg [dreg:$0x11];
	[sflag:s26] =	ssyncadd.s32 $0xFFFF0000  }
0x170: {  	[hbm4b:s28+s2] =	stream.linear.scatter [tilespmem:s29], [sflag:$0x2], $0x10000, $0x38;
	[tilespmem:$0x11000] =	vst v63  }
0x171: {  	_ =	swait.ge [sflag:s1], $0x10000  }
0x172: {  	s30 =	rddreg [dreg:$0x13]  }
0x173: {  	s31 =	rddreg [dreg:$0x12];
	s4 =	sadd.s32 $0x1, s30  }
0x174: {  	p0 =	sne.s32 s4, s31  }
.Ltmp1:
0x175: {  	_ = 	snop;
	(pc) =	sbr.rel @p0 .LBB2_1-.Ltmp1, $3  }
0x176: {  	_ =	sdelay $0x1  }
0x177: {  	[sflag:s1] =	ssyncset.done $0x0  }
0x178: {  	[sflag:s1] =	ssyncadd.s32 $0xFFFF0000  }
0x179: {  	_ =	sfence.sel $0x180000  }
0x17a: {  	[bflag:$0x0] =	sbarrier.arrive $0xFFFF  }
0x17b: {  	_ =	strace $0x90000047  }
0x17c: {  	s0 =	stileid.u32;
	[bflag:$0x2] =	sbarrier.arrive $0xFFFF  }
0x17d: {  	p0 =	sne.s32 s0, $0x0;
	s0 =	rddreg [dreg:$0x2]  }
0x17e: {  	s0 =	sadd.s32 @!p0 $0x100000, s0  }
0x17f: {  	[sflag:s0] =	ssyncadd.tile.s32 @!p0 $0x1;
	_ =	shalt  }
.Lfunc_end2:
_tile_overlayer_lowered:
.L_overlay_start_2:
0x180: {  	(tag) =	ssettag $0x2  }
0x181: {  	s0 =	rddreg [dreg:$0x0];
	s2 =	stileid.u32  }
0x182: {  	s1 =	rddreg [dreg:$0x1];
	p0 =	sne.s32 s2, $0x0  }
0x183: {  	s3 =	rddreg [dreg:$0x2];
	[bflag:$0x3] =	sbarrier.arrive $0xFFFF;
	s2 =	simm.s32 @!p0 $0x1C02  }
0x184: {  	[timem:s3], [sflag:s2] =	dma.local @!p0 [hbm:s0], s1  }
0x185: {  	s0 =	simm.s32 @!p0 $0x2  }
0x186: {  	_ =	swait.ge @!p0 [sflag:s0], s1  }
0x187: {  	s1 =	ssub.s32 @!p0 $0x0, s1;
	[sflag:s0] =	ssyncset.done @!p0 $0x0  }
0x188: {  	[sflag:s0] =	ssyncadd.s32 @!p0 s1  }
0x189: {  	[bflag:$0x3] =	sbarrier.arrive $0xFFFF  }
0x18a: {  	_ =	shalt  }

</sc_bundles>
